<compile_context>
chip_gen: v7x
topology: tpu7x:2x2x1
jax: 0.10.2.dev20260603
libtpu: 0.0.44.dev20260713+nightly
codegen_flags: <defaults>
</compile_context>

<pallas_src>
import functools

import jax
import jax.numpy as jnp
from jax import lax
from jax.experimental import pallas as pl
from jax.experimental.pallas import tpu as pltpu
from jax.experimental.pallas import tpu_sc as plsc

N_EDGE_TYPE = 7
N_NODE_TYPE = 5
AVG_DEGREE = 7

NP = 102000
NG = 4
NS = 32
WIN = 128
CHUNK = 8
BN = 2000


def _z_body(x_ref, nt_ref, w_ref, z_ref):
    i = pl.program_id(0)
    xb = x_ref[...]
    nt = nt_ref[...]
    oh = (nt == lax.broadcasted_iota(jnp.int32, (BN, N_NODE_TYPE), 1))
    xn = jnp.concatenate(
        [xb, oh.astype(jnp.float32), jnp.zeros((BN, 3), jnp.float32)], axis=1)
    z = lax.dot_general(
        xn, w_ref[...], (((1,), (0,)), ((), ())),
        preferred_element_type=jnp.float32,
        precision=lax.Precision.HIGHEST)
    row_ids = i * BN + lax.broadcasted_iota(jnp.int32, (BN, 1), 0)
    z_ref[...] = jnp.where(row_ids < 100000, z, 0.0)


def _compute_z(x, node_type, W):
    n = x.shape[0]
    wr = (W.reshape(N_EDGE_TYPE, 37, 64) / float(AVG_DEGREE)).astype(jnp.float32)
    wp = jnp.concatenate([wr, jnp.zeros((N_EDGE_TYPE, 3, 64), jnp.float32)], axis=1)
    wq = wp.reshape(N_EDGE_TYPE, 40, NG, 16).transpose(1, 2, 0, 3).reshape(40, 448)
    wq = jnp.pad(wq, ((0, 0), (0, 64)))
    nt2 = node_type.reshape(n, 1).astype(jnp.int32)

    return pl.pallas_call(
        _z_body,
        grid=(NP // BN,),
        in_specs=[
            pl.BlockSpec((BN, 32), lambda i: (i, 0)),
            pl.BlockSpec((BN, 1), lambda i: (i, 0)),
            pl.BlockSpec((40, 512), lambda i: (0, 0)),
        ],
        out_specs=pl.BlockSpec((BN, 512), lambda i: (i, 0)),
        out_shape=jax.ShapeDtypeStruct((NP, 512), jnp.float32),
        compiler_params=pltpu.CompilerParams(
            dimension_semantics=("arbitrary",)),
    )(x, nt2, wq)


def _sc_scatter(z16, gidx2, dst2, zeros, n_nodes, nwin):
    n_per = n_nodes // 16
    wps = nwin // 16
    nsc = wps // (7 * CHUNK)
    NBUF = 8

    mesh = plsc.VectorSubcoreMesh(core_axis_name="c", subcore_axis_name="s")

    row_bufs = [pltpu.VMEM((WIN, 16), jnp.float32) for _ in range(NBUF)]
    gsems = [pltpu.SemaphoreType.DMA for _ in range(NBUF)]
    ssems = [pltpu.SemaphoreType.DMA for _ in range(NBUF)]

    @functools.partial(
        pl.kernel,
        out_type=jax.ShapeDtypeStruct((NG, n_nodes, 16), jnp.float32),
        mesh=mesh,
        scratch_types=[
            pltpu.VMEM_SHARED((n_nodes, 16), jnp.float32),
            pltpu.VMEM((7 * CHUNK, WIN), jnp.int32),
            pltpu.VMEM((7 * CHUNK, WIN), jnp.int32),
        ] + row_bufs + gsems + ssems,
        compiler_params=pltpu.CompilerParams(use_tc_tiling_on_sc=False),
    )
    def kfn(z_hbm, gidx_hbm, dst_hbm, zeros_hbm, out_hbm,
            accum, idxb, dstb, *bufs_and_sems):
        rows = bufs_and_sems[:NBUF]
        gsem = bufs_and_sems[NBUF:2 * NBUF]
        ssem = bufs_and_sems[2 * NBUF:3 * NBUF]
        c = lax.axis_index("c")
        s = lax.axis_index("s")
        for gi in range(2):
            g = c * 2 + gi
            off = g * N_EDGE_TYPE
            slab = z_hbm.at[pl.ds(off, NP * NS - NS + 4)]
            out_slab = out_hbm.at[g]
            pltpu.sync_copy(zeros_hbm, accum.at[pl.ds(s * n_per, n_per)])
            plsc.subcore_barrier()

            @pl.loop(0, nsc)
            def _(sk):
                w0 = s * wps + sk * (7 * CHUNK)
                pltpu.sync_copy(gidx_hbm.at[pl.ds(w0, 7 * CHUNK)], idxb)
                pltpu.sync_copy(dst_hbm.at[pl.ds(w0, 7 * CHUNK)], dstb)

                @pl.loop(0, 7)
                def _(ck):
                    b = ck * CHUNK
                    cps = [None] * CHUNK
                    scps = [None] * CHUNK
                    for j in range(4):
                        cps[j] = pltpu.async_copy(
                            slab.at[idxb.at[b + j]], rows[j], gsem[j])
                    for j in range(CHUNK):
                        if j + 4 < CHUNK:
                            cps[j + 4] = pltpu.async_copy(
                                slab.at[idxb.at[b + j + 4]], rows[j + 4],
                                gsem[j + 4])
                        cps[j].wait()
                        scps[j] = pltpu.async_copy(
                            rows[j], accum.at[dstb.at[b + j]], ssem[j],
                            add=True)
                    for j in range(CHUNK):
                        scps[j].wait()

            plsc.subcore_barrier()
            pltpu.sync_copy(accum.at[pl.ds(s * n_per, n_per)],
                            out_slab.at[pl.ds(s * n_per, n_per)])
            plsc.subcore_barrier()

    return kfn(z16, gidx2, dst2, zeros)


def kernel(x, edge_index, edge_type, node_type, W):
    n = x.shape[0]
    e = edge_index.shape[1]
    row = edge_index[0].astype(jnp.int32)
    col = edge_index[1].astype(jnp.int32)

    z = _compute_z(x, node_type, W)
    z16 = z.reshape(NP * NS, 16)

    gidx = col * NS + edge_type.astype(jnp.int32)
    quant = 16 * 7 * CHUNK * WIN
    e_pad = ((e + quant - 1) // quant) * quant
    npad = e_pad - e
    pad_ar = lax.iota(jnp.int32, npad)
    gidx = jnp.concatenate([gidx, (n + (pad_ar % 992)) * NS])
    dst = jnp.concatenate([row, pad_ar % 4096])
    nwin = e_pad // WIN
    gidx2 = gidx.reshape(nwin, WIN)
    dst2 = dst.reshape(nwin, WIN)
    n_acc = ((n + 127) // 128) * 128
    zeros = jnp.zeros((n_acc // 16, 16), jnp.float32)

    out4 = _sc_scatter(z16, gidx2, dst2, zeros, n_acc, nwin)
    return out4[:, :n, :].transpose(1, 0, 2).reshape(n, 64)

# --- scband reference (transcript-rebuilt; emitter-appended) ---
"""Pipeline reference for scband-unet3-dmodel-83923660964189 (READ-ONLY COPY).

The authoritative reference and input builder live on the scoring server;
editing this copy changes nothing except your own understanding.
"""

import jax, jax.numpy as jnp
import numpy as np

# Dual-octree GraphConv (the core message-passing primitive of UNet3DModel,
# used by input_conv['latent'] and throughout every GraphResBlock):
#   1) append one-hot node-type to features
#   2) gather source-node features along edges
#   3) scatter-add into (dst_node, edge_type) buckets
#   4) dense matmul with per-edge-type weights, normalized by avg_degree

N_NODES = 100000
N_EDGES = 1600000
IN_CH = 32          # in_channels
OUT_CH = 64         # model_channels
N_EDGE_TYPE = 7     # hardcoded n_edge_type in UNet3DModel
N_NODE_TYPE = 5     # depth - 1
AVG_DEGREE = 7      # hardcoded avg_degree in UNet3DModel


def setup_inputs(seed: int = 0) -> dict:
    key = jax.random.key(seed)
    k1, k2, k3, k4, k5 = jax.random.split(key, 5)
    x = jax.random.normal(k1, (N_NODES, IN_CH), dtype=jnp.float32)
    edge_index = jax.random.randint(k2, (2, N_EDGES), 0, N_NODES, dtype=jnp.int32)
    edge_type = jax.random.randint(k3, (N_EDGES,), 0, N_EDGE_TYPE, dtype=jnp.int32)
    node_type = jax.random.randint(k4, (N_NODES,), 0, N_NODE_TYPE, dtype=jnp.int32)
    # learned GraphConv weight: [n_edge_type * (in_ch + n_node_type), out_ch]
    fan_in = N_EDGE_TYPE * (IN_CH + N_NODE_TYPE)
    W = jax.random.normal(k5, (fan_in, OUT_CH), dtype=jnp.float32) * (1.0 / np.sqrt(fan_in))
    return {"x": x, "edge_index": edge_index, "edge_type": edge_type,
            "node_type": node_type, "W": W}


def reference(x, edge_index, edge_type, node_type, W):
    n = x.shape[0]
    # one-hot node type appended to features
    one_hot = jax.nn.one_hot(node_type, N_NODE_TYPE, dtype=x.dtype)
    xn = jnp.concatenate([x, one_hot], axis=1)            # [N, IN_CH + N_NODE_TYPE]
    row = edge_index[0]  # dst nodes
    col = edge_index[1]  # src nodes
    # gather source features along edges
    gathered = jnp.take(xn, col, axis=0)                   # [E, IN_CH + N_NODE_TYPE]
    # scatter-add into (dst, edge_type) buckets
    index = row * N_EDGE_TYPE + edge_type                  # [E]
    agg = jax.ops.segment_sum(gathered, index, num_segments=n * N_EDGE_TYPE)
    # dense mix across edge types
    out = agg.reshape(n, -1) @ W                           # [N, OUT_CH]
    out = out / AVG_DEGREE
    return out

if __name__ == "__main__":
    import jax
    _d = setup_inputs()
    print(jax.jit(kernel)(*tuple(_d.values())))

</pallas_src>

<mosaic_0001>
#map = affine_map<(d0, d1) -> (0, 0)>
#map1 = affine_map<(d0, d1) -> (0, 0, 0)>
module attributes {stable_mosaic.version = 14 : i64} {
  func.func @kfn(%arg0: i32, %arg1: i32, %arg2: memref<3264000x16xf32, #tpu.memory_space<hbm>>, %arg3: memref<12544x128xi32, #tpu.memory_space<hbm>>, %arg4: memref<12544x128xi32, #tpu.memory_space<hbm>>, %arg5: memref<6256x16xf32, #tpu.memory_space<hbm>>, %arg6: memref<4x100096x16xf32, #tpu.memory_space<hbm>>, %arg7: memref<100096x16xf32, #tpu.memory_space<vmem_shared>>, %arg8: memref<56x128xi32, #tpu.memory_space<vmem>>, %arg9: memref<56x128xi32, #tpu.memory_space<vmem>>, %arg10: memref<128x16xf32, #tpu.memory_space<vmem>>, %arg11: memref<128x16xf32, #tpu.memory_space<vmem>>, %arg12: memref<128x16xf32, #tpu.memory_space<vmem>>, %arg13: memref<128x16xf32, #tpu.memory_space<vmem>>, %arg14: memref<128x16xf32, #tpu.memory_space<vmem>>, %arg15: memref<128x16xf32, #tpu.memory_space<vmem>>, %arg16: memref<128x16xf32, #tpu.memory_space<vmem>>, %arg17: memref<128x16xf32, #tpu.memory_space<vmem>>, %arg18: memref<!tpu.dma_semaphore, #tpu.memory_space<semaphore_mem>>, %arg19: memref<!tpu.dma_semaphore, #tpu.memory_space<semaphore_mem>>, %arg20: memref<!tpu.dma_semaphore, #tpu.memory_space<semaphore_mem>>, %arg21: memref<!tpu.dma_semaphore, #tpu.memory_space<semaphore_mem>>, %arg22: memref<!tpu.dma_semaphore, #tpu.memory_space<semaphore_mem>>, %arg23: memref<!tpu.dma_semaphore, #tpu.memory_space<semaphore_mem>>, %arg24: memref<!tpu.dma_semaphore, #tpu.memory_space<semaphore_mem>>, %arg25: memref<!tpu.dma_semaphore, #tpu.memory_space<semaphore_mem>>, %arg26: memref<!tpu.dma_semaphore, #tpu.memory_space<semaphore_mem>>, %arg27: memref<!tpu.dma_semaphore, #tpu.memory_space<semaphore_mem>>, %arg28: memref<!tpu.dma_semaphore, #tpu.memory_space<semaphore_mem>>, %arg29: memref<!tpu.dma_semaphore, #tpu.memory_space<semaphore_mem>>, %arg30: memref<!tpu.dma_semaphore, #tpu.memory_space<semaphore_mem>>, %arg31: memref<!tpu.dma_semaphore, #tpu.memory_space<semaphore_mem>>, %arg32: memref<!tpu.dma_semaphore, #tpu.memory_space<semaphore_mem>>, %arg33: memref<!tpu.dma_semaphore, #tpu.memory_space<semaphore_mem>>) attributes {dimension_semantics = [#tpu.dimension_semantics<core_parallel>, #tpu.dimension_semantics<subcore_parallel>], iteration_bounds = array<i64: 2, 16>, scalar_prefetch = 0 : i64, scratch_operands = 27 : i64, tpu.core_type = #tpu.core_type<sc_vector_subcore>, window_params = [{transform_indices = #map}, {transform_indices = #map}, {transform_indices = #map}, {transform_indices = #map}, {transform_indices = #map1}]} {
    %mul3A = arith.constant 2 : i32
    %mul3A_0 = arith.muli %arg0, %mul3A : i32
    %add3A = arith.constant 0 : i32
    %add3A_1 = arith.addi %mul3A_0, %add3A : i32
    %mul3A_2 = arith.constant 7 : i32
    %mul3A_3 = arith.muli %add3A_1, %mul3A_2 : i32
    %mul3A_4 = arith.constant 6256 : i32
    %mul3A_5 = arith.muli %arg1, %mul3A_4 : i32
    "tpu.region"() ({
      %run_scoped3A = tpu.sem_alloc : memref<!tpu.dma_semaphore, #tpu.memory_space<semaphore_mem>>
      %dma_start3A = arith.constant 0 : i32
      %dma_start3A_36 = tpu.memref_slice %arg7[%mul3A_5, %dma_start3A] : memref<100096x16xf32, #tpu.memory_space<vmem_shared>> -> memref<6256x16xf32, #tpu.memory_space<vmem_shared>>
      tpu.enqueue_dma source(%arg5 : memref<6256x16xf32, #tpu.memory_space<hbm>>) target(%dma_start3A_36 : memref<6256x16xf32, #tpu.memory_space<vmem_shared>>) target_semaphore(%run_scoped3A : memref<!tpu.dma_semaphore, #tpu.memory_space<semaphore_mem>>)
      %dma_wait3A = arith.constant 0 : i32
      %dma_wait3A_37 = tpu.memref_slice %arg7[%mul3A_5, %dma_wait3A] : memref<100096x16xf32, #tpu.memory_space<vmem_shared>> -> memref<6256x16xf32, #tpu.memory_space<vmem_shared>>
      tpu.wait_dma2 semaphore(%run_scoped3A : memref<!tpu.dma_semaphore, #tpu.memory_space<semaphore_mem>>) src(%arg5 : memref<6256x16xf32, #tpu.memory_space<hbm>>) dst(%dma_wait3A_37 : memref<6256x16xf32, #tpu.memory_space<vmem_shared>>)
      tpu.yield
    }) : () -> ()
    %barrier3A = arith.constant 0 : index
    tpu.barrier barrier_id(%barrier3A)
    %scan3A = arith.constant 0 : i32
    %scan3A_6 = arith.constant 14 : i32
    %scan3A_7 = arith.addi %scan3A, %scan3A_6 : i32
    %scan3A_8 = arith.constant 1 : i32
    scf.for %scan3A_36 = %scan3A to %scan3A_7 step %scan3A_8  : i32 {
      %mul3A_37 = arith.constant 1 : i32
      %mul3A_38 = arith.muli %scan3A_36, %mul3A_37 : i32
      %add3A_39 = arith.constant 0 : i32
      %add3A_40 = arith.addi %add3A_39, %mul3A_38 : i32
      %mul3A_41 = arith.constant 784 : i32
      %mul3A_42 = arith.muli %arg1, %mul3A_41 : i32
      %mul3A_43 = arith.constant 56 : i32
      %mul3A_44 = arith.muli %add3A_40, %mul3A_43 : i32
      %add3A_45 = arith.addi %mul3A_42, %mul3A_44 : i32
      "tpu.region"() ({
        %run_scoped3A = tpu.sem_alloc : memref<!tpu.dma_semaphore, #tpu.memory_space<semaphore_mem>>
        %dma_start3A = arith.constant 0 : i32
        %dma_start3A_51 = tpu.memref_slice %arg3[%add3A_45, %dma_start3A] : memref<12544x128xi32, #tpu.memory_space<hbm>> -> memref<56x128xi32, #tpu.memory_space<hbm>>
        %dma_start3A_52 = arith.constant 0 : i32
        %dma_start3A_53 = tpu.memref_slice %arg3[%add3A_45, %dma_start3A_52] : memref<12544x128xi32, #tpu.memory_space<hbm>> -> memref<56x128xi32, #tpu.memory_space<hbm>>
        tpu.enqueue_dma source(%dma_start3A_53 : memref<56x128xi32, #tpu.memory_space<hbm>>) target(%arg8 : memref<56x128xi32, #tpu.memory_space<vmem>>) target_semaphore(%run_scoped3A : memref<!tpu.dma_semaphore, #tpu.memory_space<semaphore_mem>>)
        %dma_wait3A = arith.constant 0 : i32
        %dma_wait3A_54 = tpu.memref_slice %arg3[%add3A_45, %dma_wait3A] : memref<12544x128xi32, #tpu.memory_space<hbm>> -> memref<56x128xi32, #tpu.memory_space<hbm>>
        %dma_wait3A_55 = arith.constant 0 : i32
        %dma_wait3A_56 = tpu.memref_slice %arg3[%add3A_45, %dma_wait3A_55] : memref<12544x128xi32, #tpu.memory_space<hbm>> -> memref<56x128xi32, #tpu.memory_space<hbm>>
        tpu.wait_dma2 semaphore(%run_scoped3A : memref<!tpu.dma_semaphore, #tpu.memory_space<semaphore_mem>>) src(%dma_wait3A_56 : memref<56x128xi32, #tpu.memory_space<hbm>>) dst(%arg8 : memref<56x128xi32, #tpu.memory_space<vmem>>)
        tpu.yield
      }) : () -> ()
      "tpu.region"() ({
        %run_scoped3A = tpu.sem_alloc : memref<!tpu.dma_semaphore, #tpu.memory_space<semaphore_mem>>
        %dma_start3A = arith.constant 0 : i32
        %dma_start3A_51 = tpu.memref_slice %arg4[%add3A_45, %dma_start3A] : memref<12544x128xi32, #tpu.memory_space<hbm>> -> memref<56x128xi32, #tpu.memory_space<hbm>>
        %dma_start3A_52 = arith.constant 0 : i32
        %dma_start3A_53 = tpu.memref_slice %arg4[%add3A_45, %dma_start3A_52] : memref<12544x128xi32, #tpu.memory_space<hbm>> -> memref<56x128xi32, #tpu.memory_space<hbm>>
        tpu.enqueue_dma source(%dma_start3A_53 : memref<56x128xi32, #tpu.memory_space<hbm>>) target(%arg9 : memref<56x128xi32, #tpu.memory_space<vmem>>) target_semaphore(%run_scoped3A : memref<!tpu.dma_semaphore, #tpu.memory_space<semaphore_mem>>)
        %dma_wait3A = arith.constant 0 : i32
        %dma_wait3A_54 = tpu.memref_slice %arg4[%add3A_45, %dma_wait3A] : memref<12544x128xi32, #tpu.memory_space<hbm>> -> memref<56x128xi32, #tpu.memory_space<hbm>>
        %dma_wait3A_55 = arith.constant 0 : i32
        %dma_wait3A_56 = tpu.memref_slice %arg4[%add3A_45, %dma_wait3A_55] : memref<12544x128xi32, #tpu.memory_space<hbm>> -> memref<56x128xi32, #tpu.memory_space<hbm>>
        tpu.wait_dma2 semaphore(%run_scoped3A : memref<!tpu.dma_semaphore, #tpu.memory_space<semaphore_mem>>) src(%dma_wait3A_56 : memref<56x128xi32, #tpu.memory_space<hbm>>) dst(%arg9 : memref<56x128xi32, #tpu.memory_space<vmem>>)
        tpu.yield
      }) : () -> ()
      %scan3A_46 = arith.constant 0 : i32
      %scan3A_47 = arith.constant 7 : i32
      %scan3A_48 = arith.addi %scan3A_46, %scan3A_47 : i32
      %scan3A_49 = arith.constant 1 : i32
      scf.for %scan3A_51 = %scan3A_46 to %scan3A_48 step %scan3A_49  : i32 {
        %mul3A_52 = arith.constant 1 : i32
        %mul3A_53 = arith.muli %scan3A_51, %mul3A_52 : i32
        %add3A_54 = arith.constant 0 : i32
        %add3A_55 = arith.addi %add3A_54, %mul3A_53 : i32
        %mul3A_56 = arith.constant 8 : i32
        %mul3A_57 = arith.muli %add3A_55, %mul3A_56 : i32
        %add3A_58 = arith.constant 0 : i32
        %add3A_59 = arith.addi %mul3A_57, %add3A_58 : i32
        %dma_start3A = arith.constant 0 : i32
        %dma_start3A_60 = tpu.memref_slice %arg8[%add3A_59, %dma_start3A] : memref<56x128xi32, #tpu.memory_space<vmem>> -> memref<1x128xi32, #tpu.memory_space<vmem>>
        %dma_start3A_61 = tpu.memref_squeeze %dma_start3A_60 : memref<1x128xi32, #tpu.memory_space<vmem>> -> memref<128xi32, #tpu.memory_space<vmem>>
        %dma_start3A_62 = arith.constant 0 : i32
        %dma_start3A_63 = tpu.memref_slice %arg2[%mul3A_3, %dma_start3A_62] : memref<3264000x16xf32, #tpu.memory_space<hbm>> -> memref<3263972x16xf32, #tpu.memory_space<hbm>>
        %dma_start3A_64 = arith.constant 0 : i32
        %dma_start3A_65 = arith.constant 0 : i32
        %dma_start3A_66 = tpu.memref_slice %dma_start3A_63[%dma_start3A_64, %dma_start3A_65] : memref<3263972x16xf32, #tpu.memory_space<hbm>> -> memref<3263972x16xf32, #tpu.memory_space<hbm>>
        tpu.enqueue_indirect_dma source(%dma_start3A_66 : memref<3263972x16xf32, #tpu.memory_space<hbm>>) target(%arg10 : memref<128x16xf32, #tpu.memory_space<vmem>>) offsets(%dma_start3A_61 : memref<128xi32, #tpu.memory_space<vmem>>) semaphore(%arg18 : memref<!tpu.dma_semaphore, #tpu.memory_space<semaphore_mem>>)
        %add3A_67 = arith.constant 1 : i32
        %add3A_68 = arith.addi %mul3A_57, %add3A_67 : i32
        %dma_start3A_69 = arith.constant 0 : i32
        %dma_start3A_70 = tpu.memref_slice %arg8[%add3A_68, %dma_start3A_69] : memref<56x128xi32, #tpu.memory_space<vmem>> -> memref<1x128xi32, #tpu.memory_space<vmem>>
        %dma_start3A_71 = tpu.memref_squeeze %dma_start3A_70 : memref<1x128xi32, #tpu.memory_space<vmem>> -> memref<128xi32, #tpu.memory_space<vmem>>
        %dma_start3A_72 = arith.constant 0 : i32
        %dma_start3A_73 = tpu.memref_slice %arg2[%mul3A_3, %dma_start3A_72] : memref<3264000x16xf32, #tpu.memory_space<hbm>> -> memref<3263972x16xf32, #tpu.memory_space<hbm>>
        %dma_start3A_74 = arith.constant 0 : i32
        %dma_start3A_75 = arith.constant 0 : i32
        %dma_start3A_76 = tpu.memref_slice %dma_start3A_73[%dma_start3A_74, %dma_start3A_75] : memref<3263972x16xf32, #tpu.memory_space<hbm>> -> memref<3263972x16xf32, #tpu.memory_space<hbm>>
        tpu.enqueue_indirect_dma source(%dma_start3A_76 : memref<3263972x16xf32, #tpu.memory_space<hbm>>) target(%arg11 : memref<128x16xf32, #tpu.memory_space<vmem>>) offsets(%dma_start3A_71 : memref<128xi32, #tpu.memory_space<vmem>>) semaphore(%arg19 : memref<!tpu.dma_semaphore, #tpu.memory_space<semaphore_mem>>)
        %add3A_77 = arith.constant 2 : i32
        %add3A_78 = arith.addi %mul3A_57, %add3A_77 : i32
        %dma_start3A_79 = arith.constant 0 : i32
        %dma_start3A_80 = tpu.memref_slice %arg8[%add3A_78, %dma_start3A_79] : memref<56x128xi32, #tpu.memory_space<vmem>> -> memref<1x128xi32, #tpu.memory_space<vmem>>
        %dma_start3A_81 = tpu.memref_squeeze %dma_start3A_80 : memref<1x128xi32, #tpu.memory_space<vmem>> -> memref<128xi32, #tpu.memory_space<vmem>>
        %dma_start3A_82 = arith.constant 0 : i32
        %dma_start3A_83 = tpu.memref_slice %arg2[%mul3A_3, %dma_start3A_82] : memref<3264000x16xf32, #tpu.memory_space<hbm>> -> memref<3263972x16xf32, #tpu.memory_space<hbm>>
        %dma_start3A_84 = arith.constant 0 : i32
        %dma_start3A_85 = arith.constant 0 : i32
        %dma_start3A_86 = tpu.memref_slice %dma_start3A_83[%dma_start3A_84, %dma_start3A_85] : memref<3263972x16xf32, #tpu.memory_space<hbm>> -> memref<3263972x16xf32, #tpu.memory_space<hbm>>
        tpu.enqueue_indirect_dma source(%dma_start3A_86 : memref<3263972x16xf32, #tpu.memory_space<hbm>>) target(%arg12 : memref<128x16xf32, #tpu.memory_space<vmem>>) offsets(%dma_start3A_81 : memref<128xi32, #tpu.memory_space<vmem>>) semaphore(%arg20 : memref<!tpu.dma_semaphore, #tpu.memory_space<semaphore_mem>>)
        %add3A_87 = arith.constant 3 : i32
        %add3A_88 = arith.addi %mul3A_57, %add3A_87 : i32
        %dma_start3A_89 = arith.constant 0 : i32
        %dma_start3A_90 = tpu.memref_slice %arg8[%add3A_88, %dma_start3A_89] : memref<56x128xi32, #tpu.memory_space<vmem>> -> memref<1x128xi32, #tpu.memory_space<vmem>>
        %dma_start3A_91 = tpu.memref_squeeze %dma_start3A_90 : memref<1x128xi32, #tpu.memory_space<vmem>> -> memref<128xi32, #tpu.memory_space<vmem>>
        %dma_start3A_92 = arith.constant 0 : i32
        %dma_start3A_93 = tpu.memref_slice %arg2[%mul3A_3, %dma_start3A_92] : memref<3264000x16xf32, #tpu.memory_space<hbm>> -> memref<3263972x16xf32, #tpu.memory_space<hbm>>
        %dma_start3A_94 = arith.constant 0 : i32
        %dma_start3A_95 = arith.constant 0 : i32
        %dma_start3A_96 = tpu.memref_slice %dma_start3A_93[%dma_start3A_94, %dma_start3A_95] : memref<3263972x16xf32, #tpu.memory_space<hbm>> -> memref<3263972x16xf32, #tpu.memory_space<hbm>>
        tpu.enqueue_indirect_dma source(%dma_start3A_96 : memref<3263972x16xf32, #tpu.memory_space<hbm>>) target(%arg13 : memref<128x16xf32, #tpu.memory_space<vmem>>) offsets(%dma_start3A_91 : memref<128xi32, #tpu.memory_space<vmem>>) semaphore(%arg21 : memref<!tpu.dma_semaphore, #tpu.memory_space<semaphore_mem>>)
        %add3A_97 = arith.constant 0 : i32
        %add3A_98 = arith.addi %mul3A_57, %add3A_97 : i32
        %add3A_99 = arith.constant 4 : i32
        %add3A_100 = arith.addi %add3A_98, %add3A_99 : i32
        %dma_start3A_101 = arith.constant 0 : i32
        %dma_start3A_102 = tpu.memref_slice %arg8[%add3A_100, %dma_start3A_101] : memref<56x128xi32, #tpu.memory_space<vmem>> -> memref<1x128xi32, #tpu.memory_space<vmem>>
        %dma_start3A_103 = tpu.memref_squeeze %dma_start3A_102 : memref<1x128xi32, #tpu.memory_space<vmem>> -> memref<128xi32, #tpu.memory_space<vmem>>
        %dma_start3A_104 = arith.constant 0 : i32
        %dma_start3A_105 = tpu.memref_slice %arg2[%mul3A_3, %dma_start3A_104] : memref<3264000x16xf32, #tpu.memory_space<hbm>> -> memref<3263972x16xf32, #tpu.memory_space<hbm>>
        %dma_start3A_106 = arith.constant 0 : i32
        %dma_start3A_107 = arith.constant 0 : i32
        %dma_start3A_108 = tpu.memref_slice %dma_start3A_105[%dma_start3A_106, %dma_start3A_107] : memref<3263972x16xf32, #tpu.memory_space<hbm>> -> memref<3263972x16xf32, #tpu.memory_space<hbm>>
        tpu.enqueue_indirect_dma source(%dma_start3A_108 : memref<3263972x16xf32, #tpu.memory_space<hbm>>) target(%arg14 : memref<128x16xf32, #tpu.memory_space<vmem>>) offsets(%dma_start3A_103 : memref<128xi32, #tpu.memory_space<vmem>>) semaphore(%arg22 : memref<!tpu.dma_semaphore, #tpu.memory_space<semaphore_mem>>)
        %dma_wait3A = arith.constant 0 : i32
        %dma_wait3A_109 = tpu.memref_slice %arg8[%add3A_59, %dma_wait3A] : memref<56x128xi32, #tpu.memory_space<vmem>> -> memref<1x128xi32, #tpu.memory_space<vmem>>
        %dma_wait3A_110 = tpu.memref_squeeze %dma_wait3A_109 : memref<1x128xi32, #tpu.memory_space<vmem>> -> memref<128xi32, #tpu.memory_space<vmem>>
        %dma_wait3A_111 = arith.constant 0 : i32
        %dma_wait3A_112 = tpu.memref_slice %arg2[%mul3A_3, %dma_wait3A_111] : memref<3264000x16xf32, #tpu.memory_space<hbm>> -> memref<3263972x16xf32, #tpu.memory_space<hbm>>
        %dma_wait3A_113 = arith.constant 0 : i32
        %dma_wait3A_114 = arith.constant 0 : i32
        %dma_wait3A_115 = tpu.memref_slice %dma_wait3A_112[%dma_wait3A_113, %dma_wait3A_114] : memref<3263972x16xf32, #tpu.memory_space<hbm>> -> memref<3263972x16xf32, #tpu.memory_space<hbm>>
        tpu.wait_indirect_dma semaphore(%arg18 : memref<!tpu.dma_semaphore, #tpu.memory_space<semaphore_mem>>) src(%dma_wait3A_115 : memref<3263972x16xf32, #tpu.memory_space<hbm>>) dst(%arg10 : memref<128x16xf32, #tpu.memory_space<vmem>>)
        %add3A_116 = arith.constant 0 : i32
        %add3A_117 = arith.addi %mul3A_57, %add3A_116 : i32
        %dma_start3A_118 = arith.constant 0 : i32
        %dma_start3A_119 = tpu.memref_slice %arg9[%add3A_117, %dma_start3A_118] : memref<56x128xi32, #tpu.memory_space<vmem>> -> memref<1x128xi32, #tpu.memory_space<vmem>>
        %dma_start3A_120 = tpu.memref_squeeze %dma_start3A_119 : memref<1x128xi32, #tpu.memory_space<vmem>> -> memref<128xi32, #tpu.memory_space<vmem>>
        %dma_start3A_121 = arith.constant 0 : i32
        %dma_start3A_122 = arith.constant 0 : i32
        %dma_start3A_123 = tpu.memref_slice %arg7[%dma_start3A_121, %dma_start3A_122] : memref<100096x16xf32, #tpu.memory_space<vmem_shared>> -> memref<100096x16xf32, #tpu.memory_space<vmem_shared>>
        tpu.enqueue_indirect_dma source(%arg10 : memref<128x16xf32, #tpu.memory_space<vmem>>) target(%dma_start3A_123 : memref<100096x16xf32, #tpu.memory_space<vmem_shared>>) offsets(%dma_start3A_120 : memref<128xi32, #tpu.memory_space<vmem>>) semaphore(%arg26 : memref<!tpu.dma_semaphore, #tpu.memory_space<semaphore_mem>>) {add = true}
        %add3A_124 = arith.constant 1 : i32
        %add3A_125 = arith.addi %mul3A_57, %add3A_124 : i32
        %add3A_126 = arith.constant 4 : i32
        %add3A_127 = arith.addi %add3A_125, %add3A_126 : i32
        %dma_start3A_128 = arith.constant 0 : i32
        %dma_start3A_129 = tpu.memref_slice %arg8[%add3A_127, %dma_start3A_128] : memref<56x128xi32, #tpu.memory_space<vmem>> -> memref<1x128xi32, #tpu.memory_space<vmem>>
        %dma_start3A_130 = tpu.memref_squeeze %dma_start3A_129 : memref<1x128xi32, #tpu.memory_space<vmem>> -> memref<128xi32, #tpu.memory_space<vmem>>
        %dma_start3A_131 = arith.constant 0 : i32
        %dma_start3A_132 = tpu.memref_slice %arg2[%mul3A_3, %dma_start3A_131] : memref<3264000x16xf32, #tpu.memory_space<hbm>> -> memref<3263972x16xf32, #tpu.memory_space<hbm>>
        %dma_start3A_133 = arith.constant 0 : i32
        %dma_start3A_134 = arith.constant 0 : i32
        %dma_start3A_135 = tpu.memref_slice %dma_start3A_132[%dma_start3A_133, %dma_start3A_134] : memref<3263972x16xf32, #tpu.memory_space<hbm>> -> memref<3263972x16xf32, #tpu.memory_space<hbm>>
        tpu.enqueue_indirect_dma source(%dma_start3A_135 : memref<3263972x16xf32, #tpu.memory_space<hbm>>) target(%arg15 : memref<128x16xf32, #tpu.memory_space<vmem>>) offsets(%dma_start3A_130 : memref<128xi32, #tpu.memory_space<vmem>>) semaphore(%arg23 : memref<!tpu.dma_semaphore, #tpu.memory_space<semaphore_mem>>)
        %dma_wait3A_136 = arith.constant 0 : i32
        %dma_wait3A_137 = tpu.memref_slice %arg8[%add3A_68, %dma_wait3A_136] : memref<56x128xi32, #tpu.memory_space<vmem>> -> memref<1x128xi32, #tpu.memory_space<vmem>>
        %dma_wait3A_138 = tpu.memref_squeeze %dma_wait3A_137 : memref<1x128xi32, #tpu.memory_space<vmem>> -> memref<128xi32, #tpu.memory_space<vmem>>
        %dma_wait3A_139 = arith.constant 0 : i32
        %dma_wait3A_140 = tpu.memref_slice %arg2[%mul3A_3, %dma_wait3A_139] : memref<3264000x16xf32, #tpu.memory_space<hbm>> -> memref<3263972x16xf32, #tpu.memory_space<hbm>>
        %dma_wait3A_141 = arith.constant 0 : i32
        %dma_wait3A_142 = arith.constant 0 : i32
        %dma_wait3A_143 = tpu.memref_slice %dma_wait3A_140[%dma_wait3A_141, %dma_wait3A_142] : memref<3263972x16xf32, #tpu.memory_space<hbm>> -> memref<3263972x16xf32, #tpu.memory_space<hbm>>
        tpu.wait_indirect_dma semaphore(%arg19 : memref<!tpu.dma_semaphore, #tpu.memory_space<semaphore_mem>>) src(%dma_wait3A_143 : memref<3263972x16xf32, #tpu.memory_space<hbm>>) dst(%arg11 : memref<128x16xf32, #tpu.memory_space<vmem>>)
        %add3A_144 = arith.constant 1 : i32
        %add3A_145 = arith.addi %mul3A_57, %add3A_144 : i32
        %dma_start3A_146 = arith.constant 0 : i32
        %dma_start3A_147 = tpu.memref_slice %arg9[%add3A_145, %dma_start3A_146] : memref<56x128xi32, #tpu.memory_space<vmem>> -> memref<1x128xi32, #tpu.memory_space<vmem>>
        %dma_start3A_148 = tpu.memref_squeeze %dma_start3A_147 : memref<1x128xi32, #tpu.memory_space<vmem>> -> memref<128xi32, #tpu.memory_space<vmem>>
        %dma_start3A_149 = arith.constant 0 : i32
        %dma_start3A_150 = arith.constant 0 : i32
        %dma_start3A_151 = tpu.memref_slice %arg7[%dma_start3A_149, %dma_start3A_150] : memref<100096x16xf32, #tpu.memory_space<vmem_shared>> -> memref<100096x16xf32, #tpu.memory_space<vmem_shared>>
        tpu.enqueue_indirect_dma source(%arg11 : memref<128x16xf32, #tpu.memory_space<vmem>>) target(%dma_start3A_151 : memref<100096x16xf32, #tpu.memory_space<vmem_shared>>) offsets(%dma_start3A_148 : memref<128xi32, #tpu.memory_space<vmem>>) semaphore(%arg27 : memref<!tpu.dma_semaphore, #tpu.memory_space<semaphore_mem>>) {add = true}
        %add3A_152 = arith.constant 2 : i32
        %add3A_153 = arith.addi %mul3A_57, %add3A_152 : i32
        %add3A_154 = arith.constant 4 : i32
        %add3A_155 = arith.addi %add3A_153, %add3A_154 : i32
        %dma_start3A_156 = arith.constant 0 : i32
        %dma_start3A_157 = tpu.memref_slice %arg8[%add3A_155, %dma_start3A_156] : memref<56x128xi32, #tpu.memory_space<vmem>> -> memref<1x128xi32, #tpu.memory_space<vmem>>
        %dma_start3A_158 = tpu.memref_squeeze %dma_start3A_157 : memref<1x128xi32, #tpu.memory_space<vmem>> -> memref<128xi32, #tpu.memory_space<vmem>>
        %dma_start3A_159 = arith.constant 0 : i32
        %dma_start3A_160 = tpu.memref_slice %arg2[%mul3A_3, %dma_start3A_159] : memref<3264000x16xf32, #tpu.memory_space<hbm>> -> memref<3263972x16xf32, #tpu.memory_space<hbm>>
        %dma_start3A_161 = arith.constant 0 : i32
        %dma_start3A_162 = arith.constant 0 : i32
        %dma_start3A_163 = tpu.memref_slice %dma_start3A_160[%dma_start3A_161, %dma_start3A_162] : memref<3263972x16xf32, #tpu.memory_space<hbm>> -> memref<3263972x16xf32, #tpu.memory_space<hbm>>
        tpu.enqueue_indirect_dma source(%dma_start3A_163 : memref<3263972x16xf32, #tpu.memory_space<hbm>>) target(%arg16 : memref<128x16xf32, #tpu.memory_space<vmem>>) offsets(%dma_start3A_158 : memref<128xi32, #tpu.memory_space<vmem>>) semaphore(%arg24 : memref<!tpu.dma_semaphore, #tpu.memory_space<semaphore_mem>>)
        %dma_wait3A_164 = arith.constant 0 : i32
        %dma_wait3A_165 = tpu.memref_slice %arg8[%add3A_78, %dma_wait3A_164] : memref<56x128xi32, #tpu.memory_space<vmem>> -> memref<1x128xi32, #tpu.memory_space<vmem>>
        %dma_wait3A_166 = tpu.memref_squeeze %dma_wait3A_165 : memref<1x128xi32, #tpu.memory_space<vmem>> -> memref<128xi32, #tpu.memory_space<vmem>>
        %dma_wait3A_167 = arith.constant 0 : i32
        %dma_wait3A_168 = tpu.memref_slice %arg2[%mul3A_3, %dma_wait3A_167] : memref<3264000x16xf32, #tpu.memory_space<hbm>> -> memref<3263972x16xf32, #tpu.memory_space<hbm>>
        %dma_wait3A_169 = arith.constant 0 : i32
        %dma_wait3A_170 = arith.constant 0 : i32
        %dma_wait3A_171 = tpu.memref_slice %dma_wait3A_168[%dma_wait3A_169, %dma_wait3A_170] : memref<3263972x16xf32, #tpu.memory_space<hbm>> -> memref<3263972x16xf32, #tpu.memory_space<hbm>>
        tpu.wait_indirect_dma semaphore(%arg20 : memref<!tpu.dma_semaphore, #tpu.memory_space<semaphore_mem>>) src(%dma_wait3A_171 : memref<3263972x16xf32, #tpu.memory_space<hbm>>) dst(%arg12 : memref<128x16xf32, #tpu.memory_space<vmem>>)
        %add3A_172 = arith.constant 2 : i32
        %add3A_173 = arith.addi %mul3A_57, %add3A_172 : i32
        %dma_start3A_174 = arith.constant 0 : i32
        %dma_start3A_175 = tpu.memref_slice %arg9[%add3A_173, %dma_start3A_174] : memref<56x128xi32, #tpu.memory_space<vmem>> -> memref<1x128xi32, #tpu.memory_space<vmem>>
        %dma_start3A_176 = tpu.memref_squeeze %dma_start3A_175 : memref<1x128xi32, #tpu.memory_space<vmem>> -> memref<128xi32, #tpu.memory_space<vmem>>
        %dma_start3A_177 = arith.constant 0 : i32
        %dma_start3A_178 = arith.constant 0 : i32
        %dma_start3A_179 = tpu.memref_slice %arg7[%dma_start3A_177, %dma_start3A_178] : memref<100096x16xf32, #tpu.memory_space<vmem_shared>> -> memref<100096x16xf32, #tpu.memory_space<vmem_shared>>
        tpu.enqueue_indirect_dma source(%arg12 : memref<128x16xf32, #tpu.memory_space<vmem>>) target(%dma_start3A_179 : memref<100096x16xf32, #tpu.memory_space<vmem_shared>>) offsets(%dma_start3A_176 : memref<128xi32, #tpu.memory_space<vmem>>) semaphore(%arg28 : memref<!tpu.dma_semaphore, #tpu.memory_space<semaphore_mem>>) {add = true}
        %add3A_180 = arith.constant 3 : i32
        %add3A_181 = arith.addi %mul3A_57, %add3A_180 : i32
        %add3A_182 = arith.constant 4 : i32
        %add3A_183 = arith.addi %add3A_181, %add3A_182 : i32
        %dma_start3A_184 = arith.constant 0 : i32
        %dma_start3A_185 = tpu.memref_slice %arg8[%add3A_183, %dma_start3A_184] : memref<56x128xi32, #tpu.memory_space<vmem>> -> memref<1x128xi32, #tpu.memory_space<vmem>>
        %dma_start3A_186 = tpu.memref_squeeze %dma_start3A_185 : memref<1x128xi32, #tpu.memory_space<vmem>> -> memref<128xi32, #tpu.memory_space<vmem>>
        %dma_start3A_187 = arith.constant 0 : i32
        %dma_start3A_188 = tpu.memref_slice %arg2[%mul3A_3, %dma_start3A_187] : memref<3264000x16xf32, #tpu.memory_space<hbm>> -> memref<3263972x16xf32, #tpu.memory_space<hbm>>
        %dma_start3A_189 = arith.constant 0 : i32
        %dma_start3A_190 = arith.constant 0 : i32
        %dma_start3A_191 = tpu.memref_slice %dma_start3A_188[%dma_start3A_189, %dma_start3A_190] : memref<3263972x16xf32, #tpu.memory_space<hbm>> -> memref<3263972x16xf32, #tpu.memory_space<hbm>>
        tpu.enqueue_indirect_dma source(%dma_start3A_191 : memref<3263972x16xf32, #tpu.memory_space<hbm>>) target(%arg17 : memref<128x16xf32, #tpu.memory_space<vmem>>) offsets(%dma_start3A_186 : memref<128xi32, #tpu.memory_space<vmem>>) semaphore(%arg25 : memref<!tpu.dma_semaphore, #tpu.memory_space<semaphore_mem>>)
        %dma_wait3A_192 = arith.constant 0 : i32
        %dma_wait3A_193 = tpu.memref_slice %arg8[%add3A_88, %dma_wait3A_192] : memref<56x128xi32, #tpu.memory_space<vmem>> -> memref<1x128xi32, #tpu.memory_space<vmem>>
        %dma_wait3A_194 = tpu.memref_squeeze %dma_wait3A_193 : memref<1x128xi32, #tpu.memory_space<vmem>> -> memref<128xi32, #tpu.memory_space<vmem>>
        %dma_wait3A_195 = arith.constant 0 : i32
        %dma_wait3A_196 = tpu.memref_slice %arg2[%mul3A_3, %dma_wait3A_195] : memref<3264000x16xf32, #tpu.memory_space<hbm>> -> memref<3263972x16xf32, #tpu.memory_space<hbm>>
        %dma_wait3A_197 = arith.constant 0 : i32
        %dma_wait3A_198 = arith.constant 0 : i32
        %dma_wait3A_199 = tpu.memref_slice %dma_wait3A_196[%dma_wait3A_197, %dma_wait3A_198] : memref<3263972x16xf32, #tpu.memory_space<hbm>> -> memref<3263972x16xf32, #tpu.memory_space<hbm>>
        tpu.wait_indirect_dma semaphore(%arg21 : memref<!tpu.dma_semaphore, #tpu.memory_space<semaphore_mem>>) src(%dma_wait3A_199 : memref<3263972x16xf32, #tpu.memory_space<hbm>>) dst(%arg13 : memref<128x16xf32, #tpu.memory_space<vmem>>)
        %add3A_200 = arith.constant 3 : i32
        %add3A_201 = arith.addi %mul3A_57, %add3A_200 : i32
        %dma_start3A_202 = arith.constant 0 : i32
        %dma_start3A_203 = tpu.memref_slice %arg9[%add3A_201, %dma_start3A_202] : memref<56x128xi32, #tpu.memory_space<vmem>> -> memref<1x128xi32, #tpu.memory_space<vmem>>
        %dma_start3A_204 = tpu.memref_squeeze %dma_start3A_203 : memref<1x128xi32, #tpu.memory_space<vmem>> -> memref<128xi32, #tpu.memory_space<vmem>>
        %dma_start3A_205 = arith.constant 0 : i32
        %dma_start3A_206 = arith.constant 0 : i32
        %dma_start3A_207 = tpu.memref_slice %arg7[%dma_start3A_205, %dma_start3A_206] : memref<100096x16xf32, #tpu.memory_space<vmem_shared>> -> memref<100096x16xf32, #tpu.memory_space<vmem_shared>>
        tpu.enqueue_indirect_dma source(%arg13 : memref<128x16xf32, #tpu.memory_space<vmem>>) target(%dma_start3A_207 : memref<100096x16xf32, #tpu.memory_space<vmem_shared>>) offsets(%dma_start3A_204 : memref<128xi32, #tpu.memory_space<vmem>>) semaphore(%arg29 : memref<!tpu.dma_semaphore, #tpu.memory_space<semaphore_mem>>) {add = true}
        %dma_wait3A_208 = arith.constant 0 : i32
        %dma_wait3A_209 = tpu.memref_slice %arg8[%add3A_100, %dma_wait3A_208] : memref<56x128xi32, #tpu.memory_space<vmem>> -> memref<1x128xi32, #tpu.memory_space<vmem>>
        %dma_wait3A_210 = tpu.memref_squeeze %dma_wait3A_209 : memref<1x128xi32, #tpu.memory_space<vmem>> -> memref<128xi32, #tpu.memory_space<vmem>>
        %dma_wait3A_211 = arith.constant 0 : i32
        %dma_wait3A_212 = tpu.memref_slice %arg2[%mul3A_3, %dma_wait3A_211] : memref<3264000x16xf32, #tpu.memory_space<hbm>> -> memref<3263972x16xf32, #tpu.memory_space<hbm>>
        %dma_wait3A_213 = arith.constant 0 : i32
        %dma_wait3A_214 = arith.constant 0 : i32
        %dma_wait3A_215 = tpu.memref_slice %dma_wait3A_212[%dma_wait3A_213, %dma_wait3A_214] : memref<3263972x16xf32, #tpu.memory_space<hbm>> -> memref<3263972x16xf32, #tpu.memory_space<hbm>>
        tpu.wait_indirect_dma semaphore(%arg22 : memref<!tpu.dma_semaphore, #tpu.memory_space<semaphore_mem>>) src(%dma_wait3A_215 : memref<3263972x16xf32, #tpu.memory_space<hbm>>) dst(%arg14 : memref<128x16xf32, #tpu.memory_space<vmem>>)
        %add3A_216 = arith.constant 4 : i32
        %add3A_217 = arith.addi %mul3A_57, %add3A_216 : i32
        %dma_start3A_218 = arith.constant 0 : i32
        %dma_start3A_219 = tpu.memref_slice %arg9[%add3A_217, %dma_start3A_218] : memref<56x128xi32, #tpu.memory_space<vmem>> -> memref<1x128xi32, #tpu.memory_space<vmem>>
        %dma_start3A_220 = tpu.memref_squeeze %dma_start3A_219 : memref<1x128xi32, #tpu.memory_space<vmem>> -> memref<128xi32, #tpu.memory_space<vmem>>
        %dma_start3A_221 = arith.constant 0 : i32
        %dma_start3A_222 = arith.constant 0 : i32
        %dma_start3A_223 = tpu.memref_slice %arg7[%dma_start3A_221, %dma_start3A_222] : memref<100096x16xf32, #tpu.memory_space<vmem_shared>> -> memref<100096x16xf32, #tpu.memory_space<vmem_shared>>
        tpu.enqueue_indirect_dma source(%arg14 : memref<128x16xf32, #tpu.memory_space<vmem>>) target(%dma_start3A_223 : memref<100096x16xf32, #tpu.memory_space<vmem_shared>>) offsets(%dma_start3A_220 : memref<128xi32, #tpu.memory_space<vmem>>) semaphore(%arg30 : memref<!tpu.dma_semaphore, #tpu.memory_space<semaphore_mem>>) {add = true}
        %dma_wait3A_224 = arith.constant 0 : i32
        %dma_wait3A_225 = tpu.memref_slice %arg8[%add3A_127, %dma_wait3A_224] : memref<56x128xi32, #tpu.memory_space<vmem>> -> memref<1x128xi32, #tpu.memory_space<vmem>>
        %dma_wait3A_226 = tpu.memref_squeeze %dma_wait3A_225 : memref<1x128xi32, #tpu.memory_space<vmem>> -> memref<128xi32, #tpu.memory_space<vmem>>
        %dma_wait3A_227 = arith.constant 0 : i32
        %dma_wait3A_228 = tpu.memref_slice %arg2[%mul3A_3, %dma_wait3A_227] : memref<3264000x16xf32, #tpu.memory_space<hbm>> -> memref<3263972x16xf32, #tpu.memory_space<hbm>>
        %dma_wait3A_229 = arith.constant 0 : i32
        %dma_wait3A_230 = arith.constant 0 : i32
        %dma_wait3A_231 = tpu.memref_slice %dma_wait3A_228[%dma_wait3A_229, %dma_wait3A_230] : memref<3263972x16xf32, #tpu.memory_space<hbm>> -> memref<3263972x16xf32, #tpu.memory_space<hbm>>
        tpu.wait_indirect_dma semaphore(%arg23 : memref<!tpu.dma_semaphore, #tpu.memory_space<semaphore_mem>>) src(%dma_wait3A_231 : memref<3263972x16xf32, #tpu.memory_space<hbm>>) dst(%arg15 : memref<128x16xf32, #tpu.memory_space<vmem>>)
        %add3A_232 = arith.constant 5 : i32
        %add3A_233 = arith.addi %mul3A_57, %add3A_232 : i32
        %dma_start3A_234 = arith.constant 0 : i32
        %dma_start3A_235 = tpu.memref_slice %arg9[%add3A_233, %dma_start3A_234] : memref<56x128xi32, #tpu.memory_space<vmem>> -> memref<1x128xi32, #tpu.memory_space<vmem>>
        %dma_start3A_236 = tpu.memref_squeeze %dma_start3A_235 : memref<1x128xi32, #tpu.memory_space<vmem>> -> memref<128xi32, #tpu.memory_space<vmem>>
        %dma_start3A_237 = arith.constant 0 : i32
        %dma_start3A_238 = arith.constant 0 : i32
        %dma_start3A_239 = tpu.memref_slice %arg7[%dma_start3A_237, %dma_start3A_238] : memref<100096x16xf32, #tpu.memory_space<vmem_shared>> -> memref<100096x16xf32, #tpu.memory_space<vmem_shared>>
        tpu.enqueue_indirect_dma source(%arg15 : memref<128x16xf32, #tpu.memory_space<vmem>>) target(%dma_start3A_239 : memref<100096x16xf32, #tpu.memory_space<vmem_shared>>) offsets(%dma_start3A_236 : memref<128xi32, #tpu.memory_space<vmem>>) semaphore(%arg31 : memref<!tpu.dma_semaphore, #tpu.memory_space<semaphore_mem>>) {add = true}
        %dma_wait3A_240 = arith.constant 0 : i32
        %dma_wait3A_241 = tpu.memref_slice %arg8[%add3A_155, %dma_wait3A_240] : memref<56x128xi32, #tpu.memory_space<vmem>> -> memref<1x128xi32, #tpu.memory_space<vmem>>
        %dma_wait3A_242 = tpu.memref_squeeze %dma_wait3A_241 : memref<1x128xi32, #tpu.memory_space<vmem>> -> memref<128xi32, #tpu.memory_space<vmem>>
        %dma_wait3A_243 = arith.constant 0 : i32
        %dma_wait3A_244 = tpu.memref_slice %arg2[%mul3A_3, %dma_wait3A_243] : memref<3264000x16xf32, #tpu.memory_space<hbm>> -> memref<3263972x16xf32, #tpu.memory_space<hbm>>
        %dma_wait3A_245 = arith.constant 0 : i32
        %dma_wait3A_246 = arith.constant 0 : i32
        %dma_wait3A_247 = tpu.memref_slice %dma_wait3A_244[%dma_wait3A_245, %dma_wait3A_246] : memref<3263972x16xf32, #tpu.memory_space<hbm>> -> memref<3263972x16xf32, #tpu.memory_space<hbm>>
        tpu.wait_indirect_dma semaphore(%arg24 : memref<!tpu.dma_semaphore, #tpu.memory_space<semaphore_mem>>) src(%dma_wait3A_247 : memref<3263972x16xf32, #tpu.memory_space<hbm>>) dst(%arg16 : memref<128x16xf32, #tpu.memory_space<vmem>>)
        %add3A_248 = arith.constant 6 : i32
        %add3A_249 = arith.addi %mul3A_57, %add3A_248 : i32
        %dma_start3A_250 = arith.constant 0 : i32
        %dma_start3A_251 = tpu.memref_slice %arg9[%add3A_249, %dma_start3A_250] : memref<56x128xi32, #tpu.memory_space<vmem>> -> memref<1x128xi32, #tpu.memory_space<vmem>>
        %dma_start3A_252 = tpu.memref_squeeze %dma_start3A_251 : memref<1x128xi32, #tpu.memory_space<vmem>> -> memref<128xi32, #tpu.memory_space<vmem>>
        %dma_start3A_253 = arith.constant 0 : i32
        %dma_start3A_254 = arith.constant 0 : i32
        %dma_start3A_255 = tpu.memref_slice %arg7[%dma_start3A_253, %dma_start3A_254] : memref<100096x16xf32, #tpu.memory_space<vmem_shared>> -> memref<100096x16xf32, #tpu.memory_space<vmem_shared>>
        tpu.enqueue_indirect_dma source(%arg16 : memref<128x16xf32, #tpu.memory_space<vmem>>) target(%dma_start3A_255 : memref<100096x16xf32, #tpu.memory_space<vmem_shared>>) offsets(%dma_start3A_252 : memref<128xi32, #tpu.memory_space<vmem>>) semaphore(%arg32 : memref<!tpu.dma_semaphore, #tpu.memory_space<semaphore_mem>>) {add = true}
        %dma_wait3A_256 = arith.constant 0 : i32
        %dma_wait3A_257 = tpu.memref_slice %arg8[%add3A_183, %dma_wait3A_256] : memref<56x128xi32, #tpu.memory_space<vmem>> -> memref<1x128xi32, #tpu.memory_space<vmem>>
        %dma_wait3A_258 = tpu.memref_squeeze %dma_wait3A_257 : memref<1x128xi32, #tpu.memory_space<vmem>> -> memref<128xi32, #tpu.memory_space<vmem>>
        %dma_wait3A_259 = arith.constant 0 : i32
        %dma_wait3A_260 = tpu.memref_slice %arg2[%mul3A_3, %dma_wait3A_259] : memref<3264000x16xf32, #tpu.memory_space<hbm>> -> memref<3263972x16xf32, #tpu.memory_space<hbm>>
        %dma_wait3A_261 = arith.constant 0 : i32
        %dma_wait3A_262 = arith.constant 0 : i32
        %dma_wait3A_263 = tpu.memref_slice %dma_wait3A_260[%dma_wait3A_261, %dma_wait3A_262] : memref<3263972x16xf32, #tpu.memory_space<hbm>> -> memref<3263972x16xf32, #tpu.memory_space<hbm>>
        tpu.wait_indirect_dma semaphore(%arg25 : memref<!tpu.dma_semaphore, #tpu.memory_space<semaphore_mem>>) src(%dma_wait3A_263 : memref<3263972x16xf32, #tpu.memory_space<hbm>>) dst(%arg17 : memref<128x16xf32, #tpu.memory_space<vmem>>)
        %add3A_264 = arith.constant 7 : i32
        %add3A_265 = arith.addi %mul3A_57, %add3A_264 : i32
        %dma_start3A_266 = arith.constant 0 : i32
        %dma_start3A_267 = tpu.memref_slice %arg9[%add3A_265, %dma_start3A_266] : memref<56x128xi32, #tpu.memory_space<vmem>> -> memref<1x128xi32, #tpu.memory_space<vmem>>
        %dma_start3A_268 = tpu.memref_squeeze %dma_start3A_267 : memref<1x128xi32, #tpu.memory_space<vmem>> -> memref<128xi32, #tpu.memory_space<vmem>>
        %dma_start3A_269 = arith.constant 0 : i32
        %dma_start3A_270 = arith.constant 0 : i32
        %dma_start3A_271 = tpu.memref_slice %arg7[%dma_start3A_269, %dma_start3A_270] : memref<100096x16xf32, #tpu.memory_space<vmem_shared>> -> memref<100096x16xf32, #tpu.memory_space<vmem_shared>>
        tpu.enqueue_indirect_dma source(%arg17 : memref<128x16xf32, #tpu.memory_space<vmem>>) target(%dma_start3A_271 : memref<100096x16xf32, #tpu.memory_space<vmem_shared>>) offsets(%dma_start3A_268 : memref<128xi32, #tpu.memory_space<vmem>>) semaphore(%arg33 : memref<!tpu.dma_semaphore, #tpu.memory_space<semaphore_mem>>) {add = true}
        %dma_wait3A_272 = arith.constant 0 : i32
        %dma_wait3A_273 = tpu.memref_slice %arg9[%add3A_117, %dma_wait3A_272] : memref<56x128xi32, #tpu.memory_space<vmem>> -> memref<1x128xi32, #tpu.memory_space<vmem>>
        %dma_wait3A_274 = tpu.memref_squeeze %dma_wait3A_273 : memref<1x128xi32, #tpu.memory_space<vmem>> -> memref<128xi32, #tpu.memory_space<vmem>>
        %dma_wait3A_275 = arith.constant 0 : i32
        %dma_wait3A_276 = arith.constant 0 : i32
        %dma_wait3A_277 = tpu.memref_slice %arg7[%dma_wait3A_275, %dma_wait3A_276] : memref<100096x16xf32, #tpu.memory_space<vmem_shared>> -> memref<100096x16xf32, #tpu.memory_space<vmem_shared>>
        tpu.wait_indirect_dma semaphore(%arg26 : memref<!tpu.dma_semaphore, #tpu.memory_space<semaphore_mem>>) src(%arg10 : memref<128x16xf32, #tpu.memory_space<vmem>>) dst(%dma_wait3A_277 : memref<100096x16xf32, #tpu.memory_space<vmem_shared>>)
        %dma_wait3A_278 = arith.constant 0 : i32
        %dma_wait3A_279 = tpu.memref_slice %arg9[%add3A_145, %dma_wait3A_278] : memref<56x128xi32, #tpu.memory_space<vmem>> -> memref<1x128xi32, #tpu.memory_space<vmem>>
        %dma_wait3A_280 = tpu.memref_squeeze %dma_wait3A_279 : memref<1x128xi32, #tpu.memory_space<vmem>> -> memref<128xi32, #tpu.memory_space<vmem>>
        %dma_wait3A_281 = arith.constant 0 : i32
        %dma_wait3A_282 = arith.constant 0 : i32
        %dma_wait3A_283 = tpu.memref_slice %arg7[%dma_wait3A_281, %dma_wait3A_282] : memref<100096x16xf32, #tpu.memory_space<vmem_shared>> -> memref<100096x16xf32, #tpu.memory_space<vmem_shared>>
        tpu.wait_indirect_dma semaphore(%arg27 : memref<!tpu.dma_semaphore, #tpu.memory_space<semaphore_mem>>) src(%arg11 : memref<128x16xf32, #tpu.memory_space<vmem>>) dst(%dma_wait3A_283 : memref<100096x16xf32, #tpu.memory_space<vmem_shared>>)
        %dma_wait3A_284 = arith.constant 0 : i32
        %dma_wait3A_285 = tpu.memref_slice %arg9[%add3A_173, %dma_wait3A_284] : memref<56x128xi32, #tpu.memory_space<vmem>> -> memref<1x128xi32, #tpu.memory_space<vmem>>
        %dma_wait3A_286 = tpu.memref_squeeze %dma_wait3A_285 : memref<1x128xi32, #tpu.memory_space<vmem>> -> memref<128xi32, #tpu.memory_space<vmem>>
        %dma_wait3A_287 = arith.constant 0 : i32
        %dma_wait3A_288 = arith.constant 0 : i32
        %dma_wait3A_289 = tpu.memref_slice %arg7[%dma_wait3A_287, %dma_wait3A_288] : memref<100096x16xf32, #tpu.memory_space<vmem_shared>> -> memref<100096x16xf32, #tpu.memory_space<vmem_shared>>
        tpu.wait_indirect_dma semaphore(%arg28 : memref<!tpu.dma_semaphore, #tpu.memory_space<semaphore_mem>>) src(%arg12 : memref<128x16xf32, #tpu.memory_space<vmem>>) dst(%dma_wait3A_289 : memref<100096x16xf32, #tpu.memory_space<vmem_shared>>)
        %dma_wait3A_290 = arith.constant 0 : i32
        %dma_wait3A_291 = tpu.memref_slice %arg9[%add3A_201, %dma_wait3A_290] : memref<56x128xi32, #tpu.memory_space<vmem>> -> memref<1x128xi32, #tpu.memory_space<vmem>>
        %dma_wait3A_292 = tpu.memref_squeeze %dma_wait3A_291 : memref<1x128xi32, #tpu.memory_space<vmem>> -> memref<128xi32, #tpu.memory_space<vmem>>
        %dma_wait3A_293 = arith.constant 0 : i32
        %dma_wait3A_294 = arith.constant 0 : i32
        %dma_wait3A_295 = tpu.memref_slice %arg7[%dma_wait3A_293, %dma_wait3A_294] : memref<100096x16xf32, #tpu.memory_space<vmem_shared>> -> memref<100096x16xf32, #tpu.memory_space<vmem_shared>>
        tpu.wait_indirect_dma semaphore(%arg29 : memref<!tpu.dma_semaphore, #tpu.memory_space<semaphore_mem>>) src(%arg13 : memref<128x16xf32, #tpu.memory_space<vmem>>) dst(%dma_wait3A_295 : memref<100096x16xf32, #tpu.memory_space<vmem_shared>>)
        %dma_wait3A_296 = arith.constant 0 : i32
        %dma_wait3A_297 = tpu.memref_slice %arg9[%add3A_217, %dma_wait3A_296] : memref<56x128xi32, #tpu.memory_space<vmem>> -> memref<1x128xi32, #tpu.memory_space<vmem>>
        %dma_wait3A_298 = tpu.memref_squeeze %dma_wait3A_297 : memref<1x128xi32, #tpu.memory_space<vmem>> -> memref<128xi32, #tpu.memory_space<vmem>>
        %dma_wait3A_299 = arith.constant 0 : i32
        %dma_wait3A_300 = arith.constant 0 : i32
        %dma_wait3A_301 = tpu.memref_slice %arg7[%dma_wait3A_299, %dma_wait3A_300] : memref<100096x16xf32, #tpu.memory_space<vmem_shared>> -> memref<100096x16xf32, #tpu.memory_space<vmem_shared>>
        tpu.wait_indirect_dma semaphore(%arg30 : memref<!tpu.dma_semaphore, #tpu.memory_space<semaphore_mem>>) src(%arg14 : memref<128x16xf32, #tpu.memory_space<vmem>>) dst(%dma_wait3A_301 : memref<100096x16xf32, #tpu.memory_space<vmem_shared>>)
        %dma_wait3A_302 = arith.constant 0 : i32
        %dma_wait3A_303 = tpu.memref_slice %arg9[%add3A_233, %dma_wait3A_302] : memref<56x128xi32, #tpu.memory_space<vmem>> -> memref<1x128xi32, #tpu.memory_space<vmem>>
        %dma_wait3A_304 = tpu.memref_squeeze %dma_wait3A_303 : memref<1x128xi32, #tpu.memory_space<vmem>> -> memref<128xi32, #tpu.memory_space<vmem>>
        %dma_wait3A_305 = arith.constant 0 : i32
        %dma_wait3A_306 = arith.constant 0 : i32
        %dma_wait3A_307 = tpu.memref_slice %arg7[%dma_wait3A_305, %dma_wait3A_306] : memref<100096x16xf32, #tpu.memory_space<vmem_shared>> -> memref<100096x16xf32, #tpu.memory_space<vmem_shared>>
        tpu.wait_indirect_dma semaphore(%arg31 : memref<!tpu.dma_semaphore, #tpu.memory_space<semaphore_mem>>) src(%arg15 : memref<128x16xf32, #tpu.memory_space<vmem>>) dst(%dma_wait3A_307 : memref<100096x16xf32, #tpu.memory_space<vmem_shared>>)
        %dma_wait3A_308 = arith.constant 0 : i32
        %dma_wait3A_309 = tpu.memref_slice %arg9[%add3A_249, %dma_wait3A_308] : memref<56x128xi32, #tpu.memory_space<vmem>> -> memref<1x128xi32, #tpu.memory_space<vmem>>
        %dma_wait3A_310 = tpu.memref_squeeze %dma_wait3A_309 : memref<1x128xi32, #tpu.memory_space<vmem>> -> memref<128xi32, #tpu.memory_space<vmem>>
        %dma_wait3A_311 = arith.constant 0 : i32
        %dma_wait3A_312 = arith.constant 0 : i32
        %dma_wait3A_313 = tpu.memref_slice %arg7[%dma_wait3A_311, %dma_wait3A_312] : memref<100096x16xf32, #tpu.memory_space<vmem_shared>> -> memref<100096x16xf32, #tpu.memory_space<vmem_shared>>
        tpu.wait_indirect_dma semaphore(%arg32 : memref<!tpu.dma_semaphore, #tpu.memory_space<semaphore_mem>>) src(%arg16 : memref<128x16xf32, #tpu.memory_space<vmem>>) dst(%dma_wait3A_313 : memref<100096x16xf32, #tpu.memory_space<vmem_shared>>)
        %dma_wait3A_314 = arith.constant 0 : i32
        %dma_wait3A_315 = tpu.memref_slice %arg9[%add3A_265, %dma_wait3A_314] : memref<56x128xi32, #tpu.memory_space<vmem>> -> memref<1x128xi32, #tpu.memory_space<vmem>>
        %dma_wait3A_316 = tpu.memref_squeeze %dma_wait3A_315 : memref<1x128xi32, #tpu.memory_space<vmem>> -> memref<128xi32, #tpu.memory_space<vmem>>
        %dma_wait3A_317 = arith.constant 0 : i32
        %dma_wait3A_318 = arith.constant 0 : i32
        %dma_wait3A_319 = tpu.memref_slice %arg7[%dma_wait3A_317, %dma_wait3A_318] : memref<100096x16xf32, #tpu.memory_space<vmem_shared>> -> memref<100096x16xf32, #tpu.memory_space<vmem_shared>>
        tpu.wait_indirect_dma semaphore(%arg33 : memref<!tpu.dma_semaphore, #tpu.memory_space<semaphore_mem>>) src(%arg17 : memref<128x16xf32, #tpu.memory_space<vmem>>) dst(%dma_wait3A_319 : memref<100096x16xf32, #tpu.memory_space<vmem_shared>>)
      }
      %scan3A_50 = arith.constant 7 : i32
    }
    %scan3A_9 = arith.constant 14 : i32
    %barrier3A_10 = arith.constant 0 : index
    tpu.barrier barrier_id(%barrier3A_10)
    %mul3A_11 = arith.constant 6256 : i32
    %mul3A_12 = arith.muli %arg1, %mul3A_11 : i32
    %mul3A_13 = arith.constant 6256 : i32
    %mul3A_14 = arith.muli %arg1, %mul3A_13 : i32
    "tpu.region"() ({
      %run_scoped3A = tpu.sem_alloc : memref<!tpu.dma_semaphore, #tpu.memory_space<semaphore_mem>>
      %dma_start3A = arith.constant 0 : i32
      %dma_start3A_36 = arith.constant 0 : i32
      %dma_start3A_37 = tpu.memref_slice %arg6[%add3A_1, %dma_start3A, %dma_start3A_36] : memref<4x100096x16xf32, #tpu.memory_space<hbm>> -> memref<1x100096x16xf32, #tpu.memory_space<hbm>>
      %dma_start3A_38 = tpu.memref_squeeze %dma_start3A_37 : memref<1x100096x16xf32, #tpu.memory_space<hbm>> -> memref<100096x16xf32, #tpu.memory_space<hbm>>
      %dma_start3A_39 = arith.constant 0 : i32
      %dma_start3A_40 = tpu.memref_slice %dma_start3A_38[%mul3A_14, %dma_start3A_39] : memref<100096x16xf32, #tpu.memory_space<hbm>> -> memref<6256x16xf32, #tpu.memory_space<hbm>>
      %dma_start3A_41 = arith.constant 0 : i32
      %dma_start3A_42 = tpu.memref_slice %arg7[%mul3A_12, %dma_start3A_41] : memref<100096x16xf32, #tpu.memory_space<vmem_shared>> -> memref<6256x16xf32, #tpu.memory_space<vmem_shared>>
      tpu.enqueue_dma source(%dma_start3A_42 : memref<6256x16xf32, #tpu.memory_space<vmem_shared>>) target(%dma_start3A_40 : memref<6256x16xf32, #tpu.memory_space<hbm>>) target_semaphore(%run_scoped3A : memref<!tpu.dma_semaphore, #tpu.memory_space<semaphore_mem>>)
      %dma_wait3A = arith.constant 0 : i32
      %dma_wait3A_43 = arith.constant 0 : i32
      %dma_wait3A_44 = tpu.memref_slice %arg6[%add3A_1, %dma_wait3A, %dma_wait3A_43] : memref<4x100096x16xf32, #tpu.memory_space<hbm>> -> memref<1x100096x16xf32, #tpu.memory_space<hbm>>
      %dma_wait3A_45 = tpu.memref_squeeze %dma_wait3A_44 : memref<1x100096x16xf32, #tpu.memory_space<hbm>> -> memref<100096x16xf32, #tpu.memory_space<hbm>>
      %dma_wait3A_46 = arith.constant 0 : i32
      %dma_wait3A_47 = tpu.memref_slice %dma_wait3A_45[%mul3A_14, %dma_wait3A_46] : memref<100096x16xf32, #tpu.memory_space<hbm>> -> memref<6256x16xf32, #tpu.memory_space<hbm>>
      %dma_wait3A_48 = arith.constant 0 : i32
      %dma_wait3A_49 = tpu.memref_slice %arg7[%mul3A_12, %dma_wait3A_48] : memref<100096x16xf32, #tpu.memory_space<vmem_shared>> -> memref<6256x16xf32, #tpu.memory_space<vmem_shared>>
      tpu.wait_dma2 semaphore(%run_scoped3A : memref<!tpu.dma_semaphore, #tpu.memory_space<semaphore_mem>>) src(%dma_wait3A_49 : memref<6256x16xf32, #tpu.memory_space<vmem_shared>>) dst(%dma_wait3A_47 : memref<6256x16xf32, #tpu.memory_space<hbm>>)
      tpu.yield
    }) : () -> ()
    %barrier3A_15 = arith.constant 0 : index
    tpu.barrier barrier_id(%barrier3A_15)
    %mul3A_16 = arith.constant 2 : i32
    %mul3A_17 = arith.muli %arg0, %mul3A_16 : i32
    %add3A_18 = arith.constant 1 : i32
    %add3A_19 = arith.addi %mul3A_17, %add3A_18 : i32
    %mul3A_20 = arith.constant 7 : i32
    %mul3A_21 = arith.muli %add3A_19, %mul3A_20 : i32
    %mul3A_22 = arith.constant 6256 : i32
    %mul3A_23 = arith.muli %arg1, %mul3A_22 : i32
    "tpu.region"() ({
      %run_scoped3A = tpu.sem_alloc : memref<!tpu.dma_semaphore, #tpu.memory_space<semaphore_mem>>
      %dma_start3A = arith.constant 0 : i32
      %dma_start3A_36 = tpu.memref_slice %arg7[%mul3A_23, %dma_start3A] : memref<100096x16xf32, #tpu.memory_space<vmem_shared>> -> memref<6256x16xf32, #tpu.memory_space<vmem_shared>>
      tpu.enqueue_dma source(%arg5 : memref<6256x16xf32, #tpu.memory_space<hbm>>) target(%dma_start3A_36 : memref<6256x16xf32, #tpu.memory_space<vmem_shared>>) target_semaphore(%run_scoped3A : memref<!tpu.dma_semaphore, #tpu.memory_space<semaphore_mem>>)
      %dma_wait3A = arith.constant 0 : i32
      %dma_wait3A_37 = tpu.memref_slice %arg7[%mul3A_23, %dma_wait3A] : memref<100096x16xf32, #tpu.memory_space<vmem_shared>> -> memref<6256x16xf32, #tpu.memory_space<vmem_shared>>
      tpu.wait_dma2 semaphore(%run_scoped3A : memref<!tpu.dma_semaphore, #tpu.memory_space<semaphore_mem>>) src(%arg5 : memref<6256x16xf32, #tpu.memory_space<hbm>>) dst(%dma_wait3A_37 : memref<6256x16xf32, #tpu.memory_space<vmem_shared>>)
      tpu.yield
    }) : () -> ()
    %barrier3A_24 = arith.constant 0 : index
    tpu.barrier barrier_id(%barrier3A_24)
    %scan3A_25 = arith.constant 0 : i32
    %scan3A_26 = arith.constant 14 : i32
    %scan3A_27 = arith.addi %scan3A_25, %scan3A_26 : i32
    %scan3A_28 = arith.constant 1 : i32
    scf.for %scan3A_36 = %scan3A_25 to %scan3A_27 step %scan3A_28  : i32 {
      %mul3A_37 = arith.constant 1 : i32
      %mul3A_38 = arith.muli %scan3A_36, %mul3A_37 : i32
      %add3A_39 = arith.constant 0 : i32
      %add3A_40 = arith.addi %add3A_39, %mul3A_38 : i32
      %mul3A_41 = arith.constant 784 : i32
      %mul3A_42 = arith.muli %arg1, %mul3A_41 : i32
      %mul3A_43 = arith.constant 56 : i32
      %mul3A_44 = arith.muli %add3A_40, %mul3A_43 : i32
      %add3A_45 = arith.addi %mul3A_42, %mul3A_44 : i32
      "tpu.region"() ({
        %run_scoped3A = tpu.sem_alloc : memref<!tpu.dma_semaphore, #tpu.memory_space<semaphore_mem>>
        %dma_start3A = arith.constant 0 : i32
        %dma_start3A_51 = tpu.memref_slice %arg3[%add3A_45, %dma_start3A] : memref<12544x128xi32, #tpu.memory_space<hbm>> -> memref<56x128xi32, #tpu.memory_space<hbm>>
        %dma_start3A_52 = arith.constant 0 : i32
        %dma_start3A_53 = tpu.memref_slice %arg3[%add3A_45, %dma_start3A_52] : memref<12544x128xi32, #tpu.memory_space<hbm>> -> memref<56x128xi32, #tpu.memory_space<hbm>>
        tpu.enqueue_dma source(%dma_start3A_53 : memref<56x128xi32, #tpu.memory_space<hbm>>) target(%arg8 : memref<56x128xi32, #tpu.memory_space<vmem>>) target_semaphore(%run_scoped3A : memref<!tpu.dma_semaphore, #tpu.memory_space<semaphore_mem>>)
        %dma_wait3A = arith.constant 0 : i32
        %dma_wait3A_54 = tpu.memref_slice %arg3[%add3A_45, %dma_wait3A] : memref<12544x128xi32, #tpu.memory_space<hbm>> -> memref<56x128xi32, #tpu.memory_space<hbm>>
        %dma_wait3A_55 = arith.constant 0 : i32
        %dma_wait3A_56 = tpu.memref_slice %arg3[%add3A_45, %dma_wait3A_55] : memref<12544x128xi32, #tpu.memory_space<hbm>> -> memref<56x128xi32, #tpu.memory_space<hbm>>
        tpu.wait_dma2 semaphore(%run_scoped3A : memref<!tpu.dma_semaphore, #tpu.memory_space<semaphore_mem>>) src(%dma_wait3A_56 : memref<56x128xi32, #tpu.memory_space<hbm>>) dst(%arg8 : memref<56x128xi32, #tpu.memory_space<vmem>>)
        tpu.yield
      }) : () -> ()
      "tpu.region"() ({
        %run_scoped3A = tpu.sem_alloc : memref<!tpu.dma_semaphore, #tpu.memory_space<semaphore_mem>>
        %dma_start3A = arith.constant 0 : i32
        %dma_start3A_51 = tpu.memref_slice %arg4[%add3A_45, %dma_start3A] : memref<12544x128xi32, #tpu.memory_space<hbm>> -> memref<56x128xi32, #tpu.memory_space<hbm>>
        %dma_start3A_52 = arith.constant 0 : i32
        %dma_start3A_53 = tpu.memref_slice %arg4[%add3A_45, %dma_start3A_52] : memref<12544x128xi32, #tpu.memory_space<hbm>> -> memref<56x128xi32, #tpu.memory_space<hbm>>
        tpu.enqueue_dma source(%dma_start3A_53 : memref<56x128xi32, #tpu.memory_space<hbm>>) target(%arg9 : memref<56x128xi32, #tpu.memory_space<vmem>>) target_semaphore(%run_scoped3A : memref<!tpu.dma_semaphore, #tpu.memory_space<semaphore_mem>>)
        %dma_wait3A = arith.constant 0 : i32
        %dma_wait3A_54 = tpu.memref_slice %arg4[%add3A_45, %dma_wait3A] : memref<12544x128xi32, #tpu.memory_space<hbm>> -> memref<56x128xi32, #tpu.memory_space<hbm>>
        %dma_wait3A_55 = arith.constant 0 : i32
        %dma_wait3A_56 = tpu.memref_slice %arg4[%add3A_45, %dma_wait3A_55] : memref<12544x128xi32, #tpu.memory_space<hbm>> -> memref<56x128xi32, #tpu.memory_space<hbm>>
        tpu.wait_dma2 semaphore(%run_scoped3A : memref<!tpu.dma_semaphore, #tpu.memory_space<semaphore_mem>>) src(%dma_wait3A_56 : memref<56x128xi32, #tpu.memory_space<hbm>>) dst(%arg9 : memref<56x128xi32, #tpu.memory_space<vmem>>)
        tpu.yield
      }) : () -> ()
      %scan3A_46 = arith.constant 0 : i32
      %scan3A_47 = arith.constant 7 : i32
      %scan3A_48 = arith.addi %scan3A_46, %scan3A_47 : i32
      %scan3A_49 = arith.constant 1 : i32
      scf.for %scan3A_51 = %scan3A_46 to %scan3A_48 step %scan3A_49  : i32 {
        %mul3A_52 = arith.constant 1 : i32
        %mul3A_53 = arith.muli %scan3A_51, %mul3A_52 : i32
        %add3A_54 = arith.constant 0 : i32
        %add3A_55 = arith.addi %add3A_54, %mul3A_53 : i32
        %mul3A_56 = arith.constant 8 : i32
        %mul3A_57 = arith.muli %add3A_55, %mul3A_56 : i32
        %add3A_58 = arith.constant 0 : i32
        %add3A_59 = arith.addi %mul3A_57, %add3A_58 : i32
        %dma_start3A = arith.constant 0 : i32
        %dma_start3A_60 = tpu.memref_slice %arg8[%add3A_59, %dma_start3A] : memref<56x128xi32, #tpu.memory_space<vmem>> -> memref<1x128xi32, #tpu.memory_space<vmem>>
        %dma_start3A_61 = tpu.memref_squeeze %dma_start3A_60 : memref<1x128xi32, #tpu.memory_space<vmem>> -> memref<128xi32, #tpu.memory_space<vmem>>
        %dma_start3A_62 = arith.constant 0 : i32
        %dma_start3A_63 = tpu.memref_slice %arg2[%mul3A_21, %dma_start3A_62] : memref<3264000x16xf32, #tpu.memory_space<hbm>> -> memref<3263972x16xf32, #tpu.memory_space<hbm>>
        %dma_start3A_64 = arith.constant 0 : i32
        %dma_start3A_65 = arith.constant 0 : i32
        %dma_start3A_66 = tpu.memref_slice %dma_start3A_63[%dma_start3A_64, %dma_start3A_65] : memref<3263972x16xf32, #tpu.memory_space<hbm>> -> memref<3263972x16xf32, #tpu.memory_space<hbm>>
        tpu.enqueue_indirect_dma source(%dma_start3A_66 : memref<3263972x16xf32, #tpu.memory_space<hbm>>) target(%arg10 : memref<128x16xf32, #tpu.memory_space<vmem>>) offsets(%dma_start3A_61 : memref<128xi32, #tpu.memory_space<vmem>>) semaphore(%arg18 : memref<!tpu.dma_semaphore, #tpu.memory_space<semaphore_mem>>)
        %add3A_67 = arith.constant 1 : i32
        %add3A_68 = arith.addi %mul3A_57, %add3A_67 : i32
        %dma_start3A_69 = arith.constant 0 : i32
        %dma_start3A_70 = tpu.memref_slice %arg8[%add3A_68, %dma_start3A_69] : memref<56x128xi32, #tpu.memory_space<vmem>> -> memref<1x128xi32, #tpu.memory_space<vmem>>
        %dma_start3A_71 = tpu.memref_squeeze %dma_start3A_70 : memref<1x128xi32, #tpu.memory_space<vmem>> -> memref<128xi32, #tpu.memory_space<vmem>>
        %dma_start3A_72 = arith.constant 0 : i32
        %dma_start3A_73 = tpu.memref_slice %arg2[%mul3A_21, %dma_start3A_72] : memref<3264000x16xf32, #tpu.memory_space<hbm>> -> memref<3263972x16xf32, #tpu.memory_space<hbm>>
        %dma_start3A_74 = arith.constant 0 : i32
        %dma_start3A_75 = arith.constant 0 : i32
        %dma_start3A_76 = tpu.memref_slice %dma_start3A_73[%dma_start3A_74, %dma_start3A_75] : memref<3263972x16xf32, #tpu.memory_space<hbm>> -> memref<3263972x16xf32, #tpu.memory_space<hbm>>
        tpu.enqueue_indirect_dma source(%dma_start3A_76 : memref<3263972x16xf32, #tpu.memory_space<hbm>>) target(%arg11 : memref<128x16xf32, #tpu.memory_space<vmem>>) offsets(%dma_start3A_71 : memref<128xi32, #tpu.memory_space<vmem>>) semaphore(%arg19 : memref<!tpu.dma_semaphore, #tpu.memory_space<semaphore_mem>>)
        %add3A_77 = arith.constant 2 : i32
        %add3A_78 = arith.addi %mul3A_57, %add3A_77 : i32
        %dma_start3A_79 = arith.constant 0 : i32
        %dma_start3A_80 = tpu.memref_slice %arg8[%add3A_78, %dma_start3A_79] : memref<56x128xi32, #tpu.memory_space<vmem>> -> memref<1x128xi32, #tpu.memory_space<vmem>>
        %dma_start3A_81 = tpu.memref_squeeze %dma_start3A_80 : memref<1x128xi32, #tpu.memory_space<vmem>> -> memref<128xi32, #tpu.memory_space<vmem>>
        %dma_start3A_82 = arith.constant 0 : i32
        %dma_start3A_83 = tpu.memref_slice %arg2[%mul3A_21, %dma_start3A_82] : memref<3264000x16xf32, #tpu.memory_space<hbm>> -> memref<3263972x16xf32, #tpu.memory_space<hbm>>
        %dma_start3A_84 = arith.constant 0 : i32
        %dma_start3A_85 = arith.constant 0 : i32
        %dma_start3A_86 = tpu.memref_slice %dma_start3A_83[%dma_start3A_84, %dma_start3A_85] : memref<3263972x16xf32, #tpu.memory_space<hbm>> -> memref<3263972x16xf32, #tpu.memory_space<hbm>>
        tpu.enqueue_indirect_dma source(%dma_start3A_86 : memref<3263972x16xf32, #tpu.memory_space<hbm>>) target(%arg12 : memref<128x16xf32, #tpu.memory_space<vmem>>) offsets(%dma_start3A_81 : memref<128xi32, #tpu.memory_space<vmem>>) semaphore(%arg20 : memref<!tpu.dma_semaphore, #tpu.memory_space<semaphore_mem>>)
        %add3A_87 = arith.constant 3 : i32
        %add3A_88 = arith.addi %mul3A_57, %add3A_87 : i32
        %dma_start3A_89 = arith.constant 0 : i32
        %dma_start3A_90 = tpu.memref_slice %arg8[%add3A_88, %dma_start3A_89] : memref<56x128xi32, #tpu.memory_space<vmem>> -> memref<1x128xi32, #tpu.memory_space<vmem>>
        %dma_start3A_91 = tpu.memref_squeeze %dma_start3A_90 : memref<1x128xi32, #tpu.memory_space<vmem>> -> memref<128xi32, #tpu.memory_space<vmem>>
        %dma_start3A_92 = arith.constant 0 : i32
        %dma_start3A_93 = tpu.memref_slice %arg2[%mul3A_21, %dma_start3A_92] : memref<3264000x16xf32, #tpu.memory_space<hbm>> -> memref<3263972x16xf32, #tpu.memory_space<hbm>>
        %dma_start3A_94 = arith.constant 0 : i32
        %dma_start3A_95 = arith.constant 0 : i32
        %dma_start3A_96 = tpu.memref_slice %dma_start3A_93[%dma_start3A_94, %dma_start3A_95] : memref<3263972x16xf32, #tpu.memory_space<hbm>> -> memref<3263972x16xf32, #tpu.memory_space<hbm>>
        tpu.enqueue_indirect_dma source(%dma_start3A_96 : memref<3263972x16xf32, #tpu.memory_space<hbm>>) target(%arg13 : memref<128x16xf32, #tpu.memory_space<vmem>>) offsets(%dma_start3A_91 : memref<128xi32, #tpu.memory_space<vmem>>) semaphore(%arg21 : memref<!tpu.dma_semaphore, #tpu.memory_space<semaphore_mem>>)
        %add3A_97 = arith.constant 0 : i32
        %add3A_98 = arith.addi %mul3A_57, %add3A_97 : i32
        %add3A_99 = arith.constant 4 : i32
        %add3A_100 = arith.addi %add3A_98, %add3A_99 : i32
        %dma_start3A_101 = arith.constant 0 : i32
        %dma_start3A_102 = tpu.memref_slice %arg8[%add3A_100, %dma_start3A_101] : memref<56x128xi32, #tpu.memory_space<vmem>> -> memref<1x128xi32, #tpu.memory_space<vmem>>
        %dma_start3A_103 = tpu.memref_squeeze %dma_start3A_102 : memref<1x128xi32, #tpu.memory_space<vmem>> -> memref<128xi32, #tpu.memory_space<vmem>>
        %dma_start3A_104 = arith.constant 0 : i32
        %dma_start3A_105 = tpu.memref_slice %arg2[%mul3A_21, %dma_start3A_104] : memref<3264000x16xf32, #tpu.memory_space<hbm>> -> memref<3263972x16xf32, #tpu.memory_space<hbm>>
        %dma_start3A_106 = arith.constant 0 : i32
        %dma_start3A_107 = arith.constant 0 : i32
        %dma_start3A_108 = tpu.memref_slice %dma_start3A_105[%dma_start3A_106, %dma_start3A_107] : memref<3263972x16xf32, #tpu.memory_space<hbm>> -> memref<3263972x16xf32, #tpu.memory_space<hbm>>
        tpu.enqueue_indirect_dma source(%dma_start3A_108 : memref<3263972x16xf32, #tpu.memory_space<hbm>>) target(%arg14 : memref<128x16xf32, #tpu.memory_space<vmem>>) offsets(%dma_start3A_103 : memref<128xi32, #tpu.memory_space<vmem>>) semaphore(%arg22 : memref<!tpu.dma_semaphore, #tpu.memory_space<semaphore_mem>>)
        %dma_wait3A = arith.constant 0 : i32
        %dma_wait3A_109 = tpu.memref_slice %arg8[%add3A_59, %dma_wait3A] : memref<56x128xi32, #tpu.memory_space<vmem>> -> memref<1x128xi32, #tpu.memory_space<vmem>>
        %dma_wait3A_110 = tpu.memref_squeeze %dma_wait3A_109 : memref<1x128xi32, #tpu.memory_space<vmem>> -> memref<128xi32, #tpu.memory_space<vmem>>
        %dma_wait3A_111 = arith.constant 0 : i32
        %dma_wait3A_112 = tpu.memref_slice %arg2[%mul3A_21, %dma_wait3A_111] : memref<3264000x16xf32, #tpu.memory_space<hbm>> -> memref<3263972x16xf32, #tpu.memory_space<hbm>>
        %dma_wait3A_113 = arith.constant 0 : i32
        %dma_wait3A_114 = arith.constant 0 : i32
        %dma_wait3A_115 = tpu.memref_slice %dma_wait3A_112[%dma_wait3A_113, %dma_wait3A_114] : memref<3263972x16xf32, #tpu.memory_space<hbm>> -> memref<3263972x16xf32, #tpu.memory_space<hbm>>
        tpu.wait_indirect_dma semaphore(%arg18 : memref<!tpu.dma_semaphore, #tpu.memory_space<semaphore_mem>>) src(%dma_wait3A_115 : memref<3263972x16xf32, #tpu.memory_space<hbm>>) dst(%arg10 : memref<128x16xf32, #tpu.memory_space<vmem>>)
        %add3A_116 = arith.constant 0 : i32
        %add3A_117 = arith.addi %mul3A_57, %add3A_116 : i32
        %dma_start3A_118 = arith.constant 0 : i32
        %dma_start3A_119 = tpu.memref_slice %arg9[%add3A_117, %dma_start3A_118] : memref<56x128xi32, #tpu.memory_space<vmem>> -> memref<1x128xi32, #tpu.memory_space<vmem>>
        %dma_start3A_120 = tpu.memref_squeeze %dma_start3A_119 : memref<1x128xi32, #tpu.memory_space<vmem>> -> memref<128xi32, #tpu.memory_space<vmem>>
        %dma_start3A_121 = arith.constant 0 : i32
        %dma_start3A_122 = arith.constant 0 : i32
        %dma_start3A_123 = tpu.memref_slice %arg7[%dma_start3A_121, %dma_start3A_122] : memref<100096x16xf32, #tpu.memory_space<vmem_shared>> -> memref<100096x16xf32, #tpu.memory_space<vmem_shared>>
        tpu.enqueue_indirect_dma source(%arg10 : memref<128x16xf32, #tpu.memory_space<vmem>>) target(%dma_start3A_123 : memref<100096x16xf32, #tpu.memory_space<vmem_shared>>) offsets(%dma_start3A_120 : memref<128xi32, #tpu.memory_space<vmem>>) semaphore(%arg26 : memref<!tpu.dma_semaphore, #tpu.memory_space<semaphore_mem>>) {add = true}
        %add3A_124 = arith.constant 1 : i32
        %add3A_125 = arith.addi %mul3A_57, %add3A_124 : i32
        %add3A_126 = arith.constant 4 : i32
        %add3A_127 = arith.addi %add3A_125, %add3A_126 : i32
        %dma_start3A_128 = arith.constant 0 : i32
        %dma_start3A_129 = tpu.memref_slice %arg8[%add3A_127, %dma_start3A_128] : memref<56x128xi32, #tpu.memory_space<vmem>> -> memref<1x128xi32, #tpu.memory_space<vmem>>
        %dma_start3A_130 = tpu.memref_squeeze %dma_start3A_129 : memref<1x128xi32, #tpu.memory_space<vmem>> -> memref<128xi32, #tpu.memory_space<vmem>>
        %dma_start3A_131 = arith.constant 0 : i32
        %dma_start3A_132 = tpu.memref_slice %arg2[%mul3A_21, %dma_start3A_131] : memref<3264000x16xf32, #tpu.memory_space<hbm>> -> memref<3263972x16xf32, #tpu.memory_space<hbm>>
        %dma_start3A_133 = arith.constant 0 : i32
        %dma_start3A_134 = arith.constant 0 : i32
        %dma_start3A_135 = tpu.memref_slice %dma_start3A_132[%dma_start3A_133, %dma_start3A_134] : memref<3263972x16xf32, #tpu.memory_space<hbm>> -> memref<3263972x16xf32, #tpu.memory_space<hbm>>
        tpu.enqueue_indirect_dma source(%dma_start3A_135 : memref<3263972x16xf32, #tpu.memory_space<hbm>>) target(%arg15 : memref<128x16xf32, #tpu.memory_space<vmem>>) offsets(%dma_start3A_130 : memref<128xi32, #tpu.memory_space<vmem>>) semaphore(%arg23 : memref<!tpu.dma_semaphore, #tpu.memory_space<semaphore_mem>>)
        %dma_wait3A_136 = arith.constant 0 : i32
        %dma_wait3A_137 = tpu.memref_slice %arg8[%add3A_68, %dma_wait3A_136] : memref<56x128xi32, #tpu.memory_space<vmem>> -> memref<1x128xi32, #tpu.memory_space<vmem>>
        %dma_wait3A_138 = tpu.memref_squeeze %dma_wait3A_137 : memref<1x128xi32, #tpu.memory_space<vmem>> -> memref<128xi32, #tpu.memory_space<vmem>>
        %dma_wait3A_139 = arith.constant 0 : i32
        %dma_wait3A_140 = tpu.memref_slice %arg2[%mul3A_21, %dma_wait3A_139] : memref<3264000x16xf32, #tpu.memory_space<hbm>> -> memref<3263972x16xf32, #tpu.memory_space<hbm>>
        %dma_wait3A_141 = arith.constant 0 : i32
        %dma_wait3A_142 = arith.constant 0 : i32
        %dma_wait3A_143 = tpu.memref_slice %dma_wait3A_140[%dma_wait3A_141, %dma_wait3A_142] : memref<3263972x16xf32, #tpu.memory_space<hbm>> -> memref<3263972x16xf32, #tpu.memory_space<hbm>>
        tpu.wait_indirect_dma semaphore(%arg19 : memref<!tpu.dma_semaphore, #tpu.memory_space<semaphore_mem>>) src(%dma_wait3A_143 : memref<3263972x16xf32, #tpu.memory_space<hbm>>) dst(%arg11 : memref<128x16xf32, #tpu.memory_space<vmem>>)
        %add3A_144 = arith.constant 1 : i32
        %add3A_145 = arith.addi %mul3A_57, %add3A_144 : i32
        %dma_start3A_146 = arith.constant 0 : i32
        %dma_start3A_147 = tpu.memref_slice %arg9[%add3A_145, %dma_start3A_146] : memref<56x128xi32, #tpu.memory_space<vmem>> -> memref<1x128xi32, #tpu.memory_space<vmem>>
        %dma_start3A_148 = tpu.memref_squeeze %dma_start3A_147 : memref<1x128xi32, #tpu.memory_space<vmem>> -> memref<128xi32, #tpu.memory_space<vmem>>
        %dma_start3A_149 = arith.constant 0 : i32
        %dma_start3A_150 = arith.constant 0 : i32
        %dma_start3A_151 = tpu.memref_slice %arg7[%dma_start3A_149, %dma_start3A_150] : memref<100096x16xf32, #tpu.memory_space<vmem_shared>> -> memref<100096x16xf32, #tpu.memory_space<vmem_shared>>
        tpu.enqueue_indirect_dma source(%arg11 : memref<128x16xf32, #tpu.memory_space<vmem>>) target(%dma_start3A_151 : memref<100096x16xf32, #tpu.memory_space<vmem_shared>>) offsets(%dma_start3A_148 : memref<128xi32, #tpu.memory_space<vmem>>) semaphore(%arg27 : memref<!tpu.dma_semaphore, #tpu.memory_space<semaphore_mem>>) {add = true}
        %add3A_152 = arith.constant 2 : i32
        %add3A_153 = arith.addi %mul3A_57, %add3A_152 : i32
        %add3A_154 = arith.constant 4 : i32
        %add3A_155 = arith.addi %add3A_153, %add3A_154 : i32
        %dma_start3A_156 = arith.constant 0 : i32
        %dma_start3A_157 = tpu.memref_slice %arg8[%add3A_155, %dma_start3A_156] : memref<56x128xi32, #tpu.memory_space<vmem>> -> memref<1x128xi32, #tpu.memory_space<vmem>>
        %dma_start3A_158 = tpu.memref_squeeze %dma_start3A_157 : memref<1x128xi32, #tpu.memory_space<vmem>> -> memref<128xi32, #tpu.memory_space<vmem>>
        %dma_start3A_159 = arith.constant 0 : i32
        %dma_start3A_160 = tpu.memref_slice %arg2[%mul3A_21, %dma_start3A_159] : memref<3264000x16xf32, #tpu.memory_space<hbm>> -> memref<3263972x16xf32, #tpu.memory_space<hbm>>
        %dma_start3A_161 = arith.constant 0 : i32
        %dma_start3A_162 = arith.constant 0 : i32
        %dma_start3A_163 = tpu.memref_slice %dma_start3A_160[%dma_start3A_161, %dma_start3A_162] : memref<3263972x16xf32, #tpu.memory_space<hbm>> -> memref<3263972x16xf32, #tpu.memory_space<hbm>>
        tpu.enqueue_indirect_dma source(%dma_start3A_163 : memref<3263972x16xf32, #tpu.memory_space<hbm>>) target(%arg16 : memref<128x16xf32, #tpu.memory_space<vmem>>) offsets(%dma_start3A_158 : memref<128xi32, #tpu.memory_space<vmem>>) semaphore(%arg24 : memref<!tpu.dma_semaphore, #tpu.memory_space<semaphore_mem>>)
        %dma_wait3A_164 = arith.constant 0 : i32
        %dma_wait3A_165 = tpu.memref_slice %arg8[%add3A_78, %dma_wait3A_164] : memref<56x128xi32, #tpu.memory_space<vmem>> -> memref<1x128xi32, #tpu.memory_space<vmem>>
        %dma_wait3A_166 = tpu.memref_squeeze %dma_wait3A_165 : memref<1x128xi32, #tpu.memory_space<vmem>> -> memref<128xi32, #tpu.memory_space<vmem>>
        %dma_wait3A_167 = arith.constant 0 : i32
        %dma_wait3A_168 = tpu.memref_slice %arg2[%mul3A_21, %dma_wait3A_167] : memref<3264000x16xf32, #tpu.memory_space<hbm>> -> memref<3263972x16xf32, #tpu.memory_space<hbm>>
        %dma_wait3A_169 = arith.constant 0 : i32
        %dma_wait3A_170 = arith.constant 0 : i32
        %dma_wait3A_171 = tpu.memref_slice %dma_wait3A_168[%dma_wait3A_169, %dma_wait3A_170] : memref<3263972x16xf32, #tpu.memory_space<hbm>> -> memref<3263972x16xf32, #tpu.memory_space<hbm>>
        tpu.wait_indirect_dma semaphore(%arg20 : memref<!tpu.dma_semaphore, #tpu.memory_space<semaphore_mem>>) src(%dma_wait3A_171 : memref<3263972x16xf32, #tpu.memory_space<hbm>>) dst(%arg12 : memref<128x16xf32, #tpu.memory_space<vmem>>)
        %add3A_172 = arith.constant 2 : i32
        %add3A_173 = arith.addi %mul3A_57, %add3A_172 : i32
        %dma_start3A_174 = arith.constant 0 : i32
        %dma_start3A_175 = tpu.memref_slice %arg9[%add3A_173, %dma_start3A_174] : memref<56x128xi32, #tpu.memory_space<vmem>> -> memref<1x128xi32, #tpu.memory_space<vmem>>
        %dma_start3A_176 = tpu.memref_squeeze %dma_start3A_175 : memref<1x128xi32, #tpu.memory_space<vmem>> -> memref<128xi32, #tpu.memory_space<vmem>>
        %dma_start3A_177 = arith.constant 0 : i32
        %dma_start3A_178 = arith.constant 0 : i32
        %dma_start3A_179 = tpu.memref_slice %arg7[%dma_start3A_177, %dma_start3A_178] : memref<100096x16xf32, #tpu.memory_space<vmem_shared>> -> memref<100096x16xf32, #tpu.memory_space<vmem_shared>>
        tpu.enqueue_indirect_dma source(%arg12 : memref<128x16xf32, #tpu.memory_space<vmem>>) target(%dma_start3A_179 : memref<100096x16xf32, #tpu.memory_space<vmem_shared>>) offsets(%dma_start3A_176 : memref<128xi32, #tpu.memory_space<vmem>>) semaphore(%arg28 : memref<!tpu.dma_semaphore, #tpu.memory_space<semaphore_mem>>) {add = true}
        %add3A_180 = arith.constant 3 : i32
        %add3A_181 = arith.addi %mul3A_57, %add3A_180 : i32
        %add3A_182 = arith.constant 4 : i32
        %add3A_183 = arith.addi %add3A_181, %add3A_182 : i32
        %dma_start3A_184 = arith.constant 0 : i32
        %dma_start3A_185 = tpu.memref_slice %arg8[%add3A_183, %dma_start3A_184] : memref<56x128xi32, #tpu.memory_space<vmem>> -> memref<1x128xi32, #tpu.memory_space<vmem>>
        %dma_start3A_186 = tpu.memref_squeeze %dma_start3A_185 : memref<1x128xi32, #tpu.memory_space<vmem>> -> memref<128xi32, #tpu.memory_space<vmem>>
        %dma_start3A_187 = arith.constant 0 : i32
        %dma_start3A_188 = tpu.memref_slice %arg2[%mul3A_21, %dma_start3A_187] : memref<3264000x16xf32, #tpu.memory_space<hbm>> -> memref<3263972x16xf32, #tpu.memory_space<hbm>>
        %dma_start3A_189 = arith.constant 0 : i32
        %dma_start3A_190 = arith.constant 0 : i32
        %dma_start3A_191 = tpu.memref_slice %dma_start3A_188[%dma_start3A_189, %dma_start3A_190] : memref<3263972x16xf32, #tpu.memory_space<hbm>> -> memref<3263972x16xf32, #tpu.memory_space<hbm>>
        tpu.enqueue_indirect_dma source(%dma_start3A_191 : memref<3263972x16xf32, #tpu.memory_space<hbm>>) target(%arg17 : memref<128x16xf32, #tpu.memory_space<vmem>>) offsets(%dma_start3A_186 : memref<128xi32, #tpu.memory_space<vmem>>) semaphore(%arg25 : memref<!tpu.dma_semaphore, #tpu.memory_space<semaphore_mem>>)
        %dma_wait3A_192 = arith.constant 0 : i32
        %dma_wait3A_193 = tpu.memref_slice %arg8[%add3A_88, %dma_wait3A_192] : memref<56x128xi32, #tpu.memory_space<vmem>> -> memref<1x128xi32, #tpu.memory_space<vmem>>
        %dma_wait3A_194 = tpu.memref_squeeze %dma_wait3A_193 : memref<1x128xi32, #tpu.memory_space<vmem>> -> memref<128xi32, #tpu.memory_space<vmem>>
        %dma_wait3A_195 = arith.constant 0 : i32
        %dma_wait3A_196 = tpu.memref_slice %arg2[%mul3A_21, %dma_wait3A_195] : memref<3264000x16xf32, #tpu.memory_space<hbm>> -> memref<3263972x16xf32, #tpu.memory_space<hbm>>
        %dma_wait3A_197 = arith.constant 0 : i32
        %dma_wait3A_198 = arith.constant 0 : i32
        %dma_wait3A_199 = tpu.memref_slice %dma_wait3A_196[%dma_wait3A_197, %dma_wait3A_198] : memref<3263972x16xf32, #tpu.memory_space<hbm>> -> memref<3263972x16xf32, #tpu.memory_space<hbm>>
        tpu.wait_indirect_dma semaphore(%arg21 : memref<!tpu.dma_semaphore, #tpu.memory_space<semaphore_mem>>) src(%dma_wait3A_199 : memref<3263972x16xf32, #tpu.memory_space<hbm>>) dst(%arg13 : memref<128x16xf32, #tpu.memory_space<vmem>>)
        %add3A_200 = arith.constant 3 : i32
        %add3A_201 = arith.addi %mul3A_57, %add3A_200 : i32
        %dma_start3A_202 = arith.constant 0 : i32
        %dma_start3A_203 = tpu.memref_slice %arg9[%add3A_201, %dma_start3A_202] : memref<56x128xi32, #tpu.memory_space<vmem>> -> memref<1x128xi32, #tpu.memory_space<vmem>>
        %dma_start3A_204 = tpu.memref_squeeze %dma_start3A_203 : memref<1x128xi32, #tpu.memory_space<vmem>> -> memref<128xi32, #tpu.memory_space<vmem>>
        %dma_start3A_205 = arith.constant 0 : i32
        %dma_start3A_206 = arith.constant 0 : i32
        %dma_start3A_207 = tpu.memref_slice %arg7[%dma_start3A_205, %dma_start3A_206] : memref<100096x16xf32, #tpu.memory_space<vmem_shared>> -> memref<100096x16xf32, #tpu.memory_space<vmem_shared>>
        tpu.enqueue_indirect_dma source(%arg13 : memref<128x16xf32, #tpu.memory_space<vmem>>) target(%dma_start3A_207 : memref<100096x16xf32, #tpu.memory_space<vmem_shared>>) offsets(%dma_start3A_204 : memref<128xi32, #tpu.memory_space<vmem>>) semaphore(%arg29 : memref<!tpu.dma_semaphore, #tpu.memory_space<semaphore_mem>>) {add = true}
        %dma_wait3A_208 = arith.constant 0 : i32
        %dma_wait3A_209 = tpu.memref_slice %arg8[%add3A_100, %dma_wait3A_208] : memref<56x128xi32, #tpu.memory_space<vmem>> -> memref<1x128xi32, #tpu.memory_space<vmem>>
        %dma_wait3A_210 = tpu.memref_squeeze %dma_wait3A_209 : memref<1x128xi32, #tpu.memory_space<vmem>> -> memref<128xi32, #tpu.memory_space<vmem>>
        %dma_wait3A_211 = arith.constant 0 : i32
        %dma_wait3A_212 = tpu.memref_slice %arg2[%mul3A_21, %dma_wait3A_211] : memref<3264000x16xf32, #tpu.memory_space<hbm>> -> memref<3263972x16xf32, #tpu.memory_space<hbm>>
        %dma_wait3A_213 = arith.constant 0 : i32
        %dma_wait3A_214 = arith.constant 0 : i32
        %dma_wait3A_215 = tpu.memref_slice %dma_wait3A_212[%dma_wait3A_213, %dma_wait3A_214] : memref<3263972x16xf32, #tpu.memory_space<hbm>> -> memref<3263972x16xf32, #tpu.memory_space<hbm>>
        tpu.wait_indirect_dma semaphore(%arg22 : memref<!tpu.dma_semaphore, #tpu.memory_space<semaphore_mem>>) src(%dma_wait3A_215 : memref<3263972x16xf32, #tpu.memory_space<hbm>>) dst(%arg14 : memref<128x16xf32, #tpu.memory_space<vmem>>)
        %add3A_216 = arith.constant 4 : i32
        %add3A_217 = arith.addi %mul3A_57, %add3A_216 : i32
        %dma_start3A_218 = arith.constant 0 : i32
        %dma_start3A_219 = tpu.memref_slice %arg9[%add3A_217, %dma_start3A_218] : memref<56x128xi32, #tpu.memory_space<vmem>> -> memref<1x128xi32, #tpu.memory_space<vmem>>
        %dma_start3A_220 = tpu.memref_squeeze %dma_start3A_219 : memref<1x128xi32, #tpu.memory_space<vmem>> -> memref<128xi32, #tpu.memory_space<vmem>>
        %dma_start3A_221 = arith.constant 0 : i32
        %dma_start3A_222 = arith.constant 0 : i32
        %dma_start3A_223 = tpu.memref_slice %arg7[%dma_start3A_221, %dma_start3A_222] : memref<100096x16xf32, #tpu.memory_space<vmem_shared>> -> memref<100096x16xf32, #tpu.memory_space<vmem_shared>>
        tpu.enqueue_indirect_dma source(%arg14 : memref<128x16xf32, #tpu.memory_space<vmem>>) target(%dma_start3A_223 : memref<100096x16xf32, #tpu.memory_space<vmem_shared>>) offsets(%dma_start3A_220 : memref<128xi32, #tpu.memory_space<vmem>>) semaphore(%arg30 : memref<!tpu.dma_semaphore, #tpu.memory_space<semaphore_mem>>) {add = true}
        %dma_wait3A_224 = arith.constant 0 : i32
        %dma_wait3A_225 = tpu.memref_slice %arg8[%add3A_127, %dma_wait3A_224] : memref<56x128xi32, #tpu.memory_space<vmem>> -> memref<1x128xi32, #tpu.memory_space<vmem>>
        %dma_wait3A_226 = tpu.memref_squeeze %dma_wait3A_225 : memref<1x128xi32, #tpu.memory_space<vmem>> -> memref<128xi32, #tpu.memory_space<vmem>>
        %dma_wait3A_227 = arith.constant 0 : i32
        %dma_wait3A_228 = tpu.memref_slice %arg2[%mul3A_21, %dma_wait3A_227] : memref<3264000x16xf32, #tpu.memory_space<hbm>> -> memref<3263972x16xf32, #tpu.memory_space<hbm>>
        %dma_wait3A_229 = arith.constant 0 : i32
        %dma_wait3A_230 = arith.constant 0 : i32
        %dma_wait3A_231 = tpu.memref_slice %dma_wait3A_228[%dma_wait3A_229, %dma_wait3A_230] : memref<3263972x16xf32, #tpu.memory_space<hbm>> -> memref<3263972x16xf32, #tpu.memory_space<hbm>>
        tpu.wait_indirect_dma semaphore(%arg23 : memref<!tpu.dma_semaphore, #tpu.memory_space<semaphore_mem>>) src(%dma_wait3A_231 : memref<3263972x16xf32, #tpu.memory_space<hbm>>) dst(%arg15 : memref<128x16xf32, #tpu.memory_space<vmem>>)
        %add3A_232 = arith.constant 5 : i32
        %add3A_233 = arith.addi %mul3A_57, %add3A_232 : i32
        %dma_start3A_234 = arith.constant 0 : i32
        %dma_start3A_235 = tpu.memref_slice %arg9[%add3A_233, %dma_start3A_234] : memref<56x128xi32, #tpu.memory_space<vmem>> -> memref<1x128xi32, #tpu.memory_space<vmem>>
        %dma_start3A_236 = tpu.memref_squeeze %dma_start3A_235 : memref<1x128xi32, #tpu.memory_space<vmem>> -> memref<128xi32, #tpu.memory_space<vmem>>
        %dma_start3A_237 = arith.constant 0 : i32
        %dma_start3A_238 = arith.constant 0 : i32
        %dma_start3A_239 = tpu.memref_slice %arg7[%dma_start3A_237, %dma_start3A_238] : memref<100096x16xf32, #tpu.memory_space<vmem_shared>> -> memref<100096x16xf32, #tpu.memory_space<vmem_shared>>
        tpu.enqueue_indirect_dma source(%arg15 : memref<128x16xf32, #tpu.memory_space<vmem>>) target(%dma_start3A_239 : memref<100096x16xf32, #tpu.memory_space<vmem_shared>>) offsets(%dma_start3A_236 : memref<128xi32, #tpu.memory_space<vmem>>) semaphore(%arg31 : memref<!tpu.dma_semaphore, #tpu.memory_space<semaphore_mem>>) {add = true}
        %dma_wait3A_240 = arith.constant 0 : i32
        %dma_wait3A_241 = tpu.memref_slice %arg8[%add3A_155, %dma_wait3A_240] : memref<56x128xi32, #tpu.memory_space<vmem>> -> memref<1x128xi32, #tpu.memory_space<vmem>>
        %dma_wait3A_242 = tpu.memref_squeeze %dma_wait3A_241 : memref<1x128xi32, #tpu.memory_space<vmem>> -> memref<128xi32, #tpu.memory_space<vmem>>
        %dma_wait3A_243 = arith.constant 0 : i32
        %dma_wait3A_244 = tpu.memref_slice %arg2[%mul3A_21, %dma_wait3A_243] : memref<3264000x16xf32, #tpu.memory_space<hbm>> -> memref<3263972x16xf32, #tpu.memory_space<hbm>>
        %dma_wait3A_245 = arith.constant 0 : i32
        %dma_wait3A_246 = arith.constant 0 : i32
        %dma_wait3A_247 = tpu.memref_slice %dma_wait3A_244[%dma_wait3A_245, %dma_wait3A_246] : memref<3263972x16xf32, #tpu.memory_space<hbm>> -> memref<3263972x16xf32, #tpu.memory_space<hbm>>
        tpu.wait_indirect_dma semaphore(%arg24 : memref<!tpu.dma_semaphore, #tpu.memory_space<semaphore_mem>>) src(%dma_wait3A_247 : memref<3263972x16xf32, #tpu.memory_space<hbm>>) dst(%arg16 : memref<128x16xf32, #tpu.memory_space<vmem>>)
        %add3A_248 = arith.constant 6 : i32
        %add3A_249 = arith.addi %mul3A_57, %add3A_248 : i32
        %dma_start3A_250 = arith.constant 0 : i32
        %dma_start3A_251 = tpu.memref_slice %arg9[%add3A_249, %dma_start3A_250] : memref<56x128xi32, #tpu.memory_space<vmem>> -> memref<1x128xi32, #tpu.memory_space<vmem>>
        %dma_start3A_252 = tpu.memref_squeeze %dma_start3A_251 : memref<1x128xi32, #tpu.memory_space<vmem>> -> memref<128xi32, #tpu.memory_space<vmem>>
        %dma_start3A_253 = arith.constant 0 : i32
        %dma_start3A_254 = arith.constant 0 : i32
        %dma_start3A_255 = tpu.memref_slice %arg7[%dma_start3A_253, %dma_start3A_254] : memref<100096x16xf32, #tpu.memory_space<vmem_shared>> -> memref<100096x16xf32, #tpu.memory_space<vmem_shared>>
        tpu.enqueue_indirect_dma source(%arg16 : memref<128x16xf32, #tpu.memory_space<vmem>>) target(%dma_start3A_255 : memref<100096x16xf32, #tpu.memory_space<vmem_shared>>) offsets(%dma_start3A_252 : memref<128xi32, #tpu.memory_space<vmem>>) semaphore(%arg32 : memref<!tpu.dma_semaphore, #tpu.memory_space<semaphore_mem>>) {add = true}
        %dma_wait3A_256 = arith.constant 0 : i32
        %dma_wait3A_257 = tpu.memref_slice %arg8[%add3A_183, %dma_wait3A_256] : memref<56x128xi32, #tpu.memory_space<vmem>> -> memref<1x128xi32, #tpu.memory_space<vmem>>
        %dma_wait3A_258 = tpu.memref_squeeze %dma_wait3A_257 : memref<1x128xi32, #tpu.memory_space<vmem>> -> memref<128xi32, #tpu.memory_space<vmem>>
        %dma_wait3A_259 = arith.constant 0 : i32
        %dma_wait3A_260 = tpu.memref_slice %arg2[%mul3A_21, %dma_wait3A_259] : memref<3264000x16xf32, #tpu.memory_space<hbm>> -> memref<3263972x16xf32, #tpu.memory_space<hbm>>
        %dma_wait3A_261 = arith.constant 0 : i32
        %dma_wait3A_262 = arith.constant 0 : i32
        %dma_wait3A_263 = tpu.memref_slice %dma_wait3A_260[%dma_wait3A_261, %dma_wait3A_262] : memref<3263972x16xf32, #tpu.memory_space<hbm>> -> memref<3263972x16xf32, #tpu.memory_space<hbm>>
        tpu.wait_indirect_dma semaphore(%arg25 : memref<!tpu.dma_semaphore, #tpu.memory_space<semaphore_mem>>) src(%dma_wait3A_263 : memref<3263972x16xf32, #tpu.memory_space<hbm>>) dst(%arg17 : memref<128x16xf32, #tpu.memory_space<vmem>>)
        %add3A_264 = arith.constant 7 : i32
        %add3A_265 = arith.addi %mul3A_57, %add3A_264 : i32
        %dma_start3A_266 = arith.constant 0 : i32
        %dma_start3A_267 = tpu.memref_slice %arg9[%add3A_265, %dma_start3A_266] : memref<56x128xi32, #tpu.memory_space<vmem>> -> memref<1x128xi32, #tpu.memory_space<vmem>>
        %dma_start3A_268 = tpu.memref_squeeze %dma_start3A_267 : memref<1x128xi32, #tpu.memory_space<vmem>> -> memref<128xi32, #tpu.memory_space<vmem>>
        %dma_start3A_269 = arith.constant 0 : i32
        %dma_start3A_270 = arith.constant 0 : i32
        %dma_start3A_271 = tpu.memref_slice %arg7[%dma_start3A_269, %dma_start3A_270] : memref<100096x16xf32, #tpu.memory_space<vmem_shared>> -> memref<100096x16xf32, #tpu.memory_space<vmem_shared>>
        tpu.enqueue_indirect_dma source(%arg17 : memref<128x16xf32, #tpu.memory_space<vmem>>) target(%dma_start3A_271 : memref<100096x16xf32, #tpu.memory_space<vmem_shared>>) offsets(%dma_start3A_268 : memref<128xi32, #tpu.memory_space<vmem>>) semaphore(%arg33 : memref<!tpu.dma_semaphore, #tpu.memory_space<semaphore_mem>>) {add = true}
        %dma_wait3A_272 = arith.constant 0 : i32
        %dma_wait3A_273 = tpu.memref_slice %arg9[%add3A_117, %dma_wait3A_272] : memref<56x128xi32, #tpu.memory_space<vmem>> -> memref<1x128xi32, #tpu.memory_space<vmem>>
        %dma_wait3A_274 = tpu.memref_squeeze %dma_wait3A_273 : memref<1x128xi32, #tpu.memory_space<vmem>> -> memref<128xi32, #tpu.memory_space<vmem>>
        %dma_wait3A_275 = arith.constant 0 : i32
        %dma_wait3A_276 = arith.constant 0 : i32
        %dma_wait3A_277 = tpu.memref_slice %arg7[%dma_wait3A_275, %dma_wait3A_276] : memref<100096x16xf32, #tpu.memory_space<vmem_shared>> -> memref<100096x16xf32, #tpu.memory_space<vmem_shared>>
        tpu.wait_indirect_dma semaphore(%arg26 : memref<!tpu.dma_semaphore, #tpu.memory_space<semaphore_mem>>) src(%arg10 : memref<128x16xf32, #tpu.memory_space<vmem>>) dst(%dma_wait3A_277 : memref<100096x16xf32, #tpu.memory_space<vmem_shared>>)
        %dma_wait3A_278 = arith.constant 0 : i32
        %dma_wait3A_279 = tpu.memref_slice %arg9[%add3A_145, %dma_wait3A_278] : memref<56x128xi32, #tpu.memory_space<vmem>> -> memref<1x128xi32, #tpu.memory_space<vmem>>
        %dma_wait3A_280 = tpu.memref_squeeze %dma_wait3A_279 : memref<1x128xi32, #tpu.memory_space<vmem>> -> memref<128xi32, #tpu.memory_space<vmem>>
        %dma_wait3A_281 = arith.constant 0 : i32
        %dma_wait3A_282 = arith.constant 0 : i32
        %dma_wait3A_283 = tpu.memref_slice %arg7[%dma_wait3A_281, %dma_wait3A_282] : memref<100096x16xf32, #tpu.memory_space<vmem_shared>> -> memref<100096x16xf32, #tpu.memory_space<vmem_shared>>
        tpu.wait_indirect_dma semaphore(%arg27 : memref<!tpu.dma_semaphore, #tpu.memory_space<semaphore_mem>>) src(%arg11 : memref<128x16xf32, #tpu.memory_space<vmem>>) dst(%dma_wait3A_283 : memref<100096x16xf32, #tpu.memory_space<vmem_shared>>)
        %dma_wait3A_284 = arith.constant 0 : i32
        %dma_wait3A_285 = tpu.memref_slice %arg9[%add3A_173, %dma_wait3A_284] : memref<56x128xi32, #tpu.memory_space<vmem>> -> memref<1x128xi32, #tpu.memory_space<vmem>>
        %dma_wait3A_286 = tpu.memref_squeeze %dma_wait3A_285 : memref<1x128xi32, #tpu.memory_space<vmem>> -> memref<128xi32, #tpu.memory_space<vmem>>
        %dma_wait3A_287 = arith.constant 0 : i32
        %dma_wait3A_288 = arith.constant 0 : i32
        %dma_wait3A_289 = tpu.memref_slice %arg7[%dma_wait3A_287, %dma_wait3A_288] : memref<100096x16xf32, #tpu.memory_space<vmem_shared>> -> memref<100096x16xf32, #tpu.memory_space<vmem_shared>>
        tpu.wait_indirect_dma semaphore(%arg28 : memref<!tpu.dma_semaphore, #tpu.memory_space<semaphore_mem>>) src(%arg12 : memref<128x16xf32, #tpu.memory_space<vmem>>) dst(%dma_wait3A_289 : memref<100096x16xf32, #tpu.memory_space<vmem_shared>>)
        %dma_wait3A_290 = arith.constant 0 : i32
        %dma_wait3A_291 = tpu.memref_slice %arg9[%add3A_201, %dma_wait3A_290] : memref<56x128xi32, #tpu.memory_space<vmem>> -> memref<1x128xi32, #tpu.memory_space<vmem>>
        %dma_wait3A_292 = tpu.memref_squeeze %dma_wait3A_291 : memref<1x128xi32, #tpu.memory_space<vmem>> -> memref<128xi32, #tpu.memory_space<vmem>>
        %dma_wait3A_293 = arith.constant 0 : i32
        %dma_wait3A_294 = arith.constant 0 : i32
        %dma_wait3A_295 = tpu.memref_slice %arg7[%dma_wait3A_293, %dma_wait3A_294] : memref<100096x16xf32, #tpu.memory_space<vmem_shared>> -> memref<100096x16xf32, #tpu.memory_space<vmem_shared>>
        tpu.wait_indirect_dma semaphore(%arg29 : memref<!tpu.dma_semaphore, #tpu.memory_space<semaphore_mem>>) src(%arg13 : memref<128x16xf32, #tpu.memory_space<vmem>>) dst(%dma_wait3A_295 : memref<100096x16xf32, #tpu.memory_space<vmem_shared>>)
        %dma_wait3A_296 = arith.constant 0 : i32
        %dma_wait3A_297 = tpu.memref_slice %arg9[%add3A_217, %dma_wait3A_296] : memref<56x128xi32, #tpu.memory_space<vmem>> -> memref<1x128xi32, #tpu.memory_space<vmem>>
        %dma_wait3A_298 = tpu.memref_squeeze %dma_wait3A_297 : memref<1x128xi32, #tpu.memory_space<vmem>> -> memref<128xi32, #tpu.memory_space<vmem>>
        %dma_wait3A_299 = arith.constant 0 : i32
        %dma_wait3A_300 = arith.constant 0 : i32
        %dma_wait3A_301 = tpu.memref_slice %arg7[%dma_wait3A_299, %dma_wait3A_300] : memref<100096x16xf32, #tpu.memory_space<vmem_shared>> -> memref<100096x16xf32, #tpu.memory_space<vmem_shared>>
        tpu.wait_indirect_dma semaphore(%arg30 : memref<!tpu.dma_semaphore, #tpu.memory_space<semaphore_mem>>) src(%arg14 : memref<128x16xf32, #tpu.memory_space<vmem>>) dst(%dma_wait3A_301 : memref<100096x16xf32, #tpu.memory_space<vmem_shared>>)
        %dma_wait3A_302 = arith.constant 0 : i32
        %dma_wait3A_303 = tpu.memref_slice %arg9[%add3A_233, %dma_wait3A_302] : memref<56x128xi32, #tpu.memory_space<vmem>> -> memref<1x128xi32, #tpu.memory_space<vmem>>
        %dma_wait3A_304 = tpu.memref_squeeze %dma_wait3A_303 : memref<1x128xi32, #tpu.memory_space<vmem>> -> memref<128xi32, #tpu.memory_space<vmem>>
        %dma_wait3A_305 = arith.constant 0 : i32
        %dma_wait3A_306 = arith.constant 0 : i32
        %dma_wait3A_307 = tpu.memref_slice %arg7[%dma_wait3A_305, %dma_wait3A_306] : memref<100096x16xf32, #tpu.memory_space<vmem_shared>> -> memref<100096x16xf32, #tpu.memory_space<vmem_shared>>
        tpu.wait_indirect_dma semaphore(%arg31 : memref<!tpu.dma_semaphore, #tpu.memory_space<semaphore_mem>>) src(%arg15 : memref<128x16xf32, #tpu.memory_space<vmem>>) dst(%dma_wait3A_307 : memref<100096x16xf32, #tpu.memory_space<vmem_shared>>)
        %dma_wait3A_308 = arith.constant 0 : i32
        %dma_wait3A_309 = tpu.memref_slice %arg9[%add3A_249, %dma_wait3A_308] : memref<56x128xi32, #tpu.memory_space<vmem>> -> memref<1x128xi32, #tpu.memory_space<vmem>>
        %dma_wait3A_310 = tpu.memref_squeeze %dma_wait3A_309 : memref<1x128xi32, #tpu.memory_space<vmem>> -> memref<128xi32, #tpu.memory_space<vmem>>
        %dma_wait3A_311 = arith.constant 0 : i32
        %dma_wait3A_312 = arith.constant 0 : i32
        %dma_wait3A_313 = tpu.memref_slice %arg7[%dma_wait3A_311, %dma_wait3A_312] : memref<100096x16xf32, #tpu.memory_space<vmem_shared>> -> memref<100096x16xf32, #tpu.memory_space<vmem_shared>>
        tpu.wait_indirect_dma semaphore(%arg32 : memref<!tpu.dma_semaphore, #tpu.memory_space<semaphore_mem>>) src(%arg16 : memref<128x16xf32, #tpu.memory_space<vmem>>) dst(%dma_wait3A_313 : memref<100096x16xf32, #tpu.memory_space<vmem_shared>>)
        %dma_wait3A_314 = arith.constant 0 : i32
        %dma_wait3A_315 = tpu.memref_slice %arg9[%add3A_265, %dma_wait3A_314] : memref<56x128xi32, #tpu.memory_space<vmem>> -> memref<1x128xi32, #tpu.memory_space<vmem>>
        %dma_wait3A_316 = tpu.memref_squeeze %dma_wait3A_315 : memref<1x128xi32, #tpu.memory_space<vmem>> -> memref<128xi32, #tpu.memory_space<vmem>>
        %dma_wait3A_317 = arith.constant 0 : i32
        %dma_wait3A_318 = arith.constant 0 : i32
        %dma_wait3A_319 = tpu.memref_slice %arg7[%dma_wait3A_317, %dma_wait3A_318] : memref<100096x16xf32, #tpu.memory_space<vmem_shared>> -> memref<100096x16xf32, #tpu.memory_space<vmem_shared>>
        tpu.wait_indirect_dma semaphore(%arg33 : memref<!tpu.dma_semaphore, #tpu.memory_space<semaphore_mem>>) src(%arg17 : memref<128x16xf32, #tpu.memory_space<vmem>>) dst(%dma_wait3A_319 : memref<100096x16xf32, #tpu.memory_space<vmem_shared>>)
      }
      %scan3A_50 = arith.constant 7 : i32
    }
    %scan3A_29 = arith.constant 14 : i32
    %barrier3A_30 = arith.constant 0 : index
    tpu.barrier barrier_id(%barrier3A_30)
    %mul3A_31 = arith.constant 6256 : i32
    %mul3A_32 = arith.muli %arg1, %mul3A_31 : i32
    %mul3A_33 = arith.constant 6256 : i32
    %mul3A_34 = arith.muli %arg1, %mul3A_33 : i32
    "tpu.region"() ({
      %run_scoped3A = tpu.sem_alloc : memref<!tpu.dma_semaphore, #tpu.memory_space<semaphore_mem>>
      %dma_start3A = arith.constant 0 : i32
      %dma_start3A_36 = arith.constant 0 : i32
      %dma_start3A_37 = tpu.memref_slice %arg6[%add3A_19, %dma_start3A, %dma_start3A_36] : memref<4x100096x16xf32, #tpu.memory_space<hbm>> -> memref<1x100096x16xf32, #tpu.memory_space<hbm>>
      %dma_start3A_38 = tpu.memref_squeeze %dma_start3A_37 : memref<1x100096x16xf32, #tpu.memory_space<hbm>> -> memref<100096x16xf32, #tpu.memory_space<hbm>>
      %dma_start3A_39 = arith.constant 0 : i32
      %dma_start3A_40 = tpu.memref_slice %dma_start3A_38[%mul3A_34, %dma_start3A_39] : memref<100096x16xf32, #tpu.memory_space<hbm>> -> memref<6256x16xf32, #tpu.memory_space<hbm>>
      %dma_start3A_41 = arith.constant 0 : i32
      %dma_start3A_42 = tpu.memref_slice %arg7[%mul3A_32, %dma_start3A_41] : memref<100096x16xf32, #tpu.memory_space<vmem_shared>> -> memref<6256x16xf32, #tpu.memory_space<vmem_shared>>
      tpu.enqueue_dma source(%dma_start3A_42 : memref<6256x16xf32, #tpu.memory_space<vmem_shared>>) target(%dma_start3A_40 : memref<6256x16xf32, #tpu.memory_space<hbm>>) target_semaphore(%run_scoped3A : memref<!tpu.dma_semaphore, #tpu.memory_space<semaphore_mem>>)
      %dma_wait3A = arith.constant 0 : i32
      %dma_wait3A_43 = arith.constant 0 : i32
      %dma_wait3A_44 = tpu.memref_slice %arg6[%add3A_19, %dma_wait3A, %dma_wait3A_43] : memref<4x100096x16xf32, #tpu.memory_space<hbm>> -> memref<1x100096x16xf32, #tpu.memory_space<hbm>>
      %dma_wait3A_45 = tpu.memref_squeeze %dma_wait3A_44 : memref<1x100096x16xf32, #tpu.memory_space<hbm>> -> memref<100096x16xf32, #tpu.memory_space<hbm>>
      %dma_wait3A_46 = arith.constant 0 : i32
      %dma_wait3A_47 = tpu.memref_slice %dma_wait3A_45[%mul3A_34, %dma_wait3A_46] : memref<100096x16xf32, #tpu.memory_space<hbm>> -> memref<6256x16xf32, #tpu.memory_space<hbm>>
      %dma_wait3A_48 = arith.constant 0 : i32
      %dma_wait3A_49 = tpu.memref_slice %arg7[%mul3A_32, %dma_wait3A_48] : memref<100096x16xf32, #tpu.memory_space<vmem_shared>> -> memref<6256x16xf32, #tpu.memory_space<vmem_shared>>
      tpu.wait_dma2 semaphore(%run_scoped3A : memref<!tpu.dma_semaphore, #tpu.memory_space<semaphore_mem>>) src(%dma_wait3A_49 : memref<6256x16xf32, #tpu.memory_space<vmem_shared>>) dst(%dma_wait3A_47 : memref<6256x16xf32, #tpu.memory_space<hbm>>)
      tpu.yield
    }) : () -> ()
    %barrier3A_35 = arith.constant 0 : index
    tpu.barrier barrier_id(%barrier3A_35)
    return
  }
}

module attributes {stable_mosaic.version = 14 : i64} {
  func.func @_z_body(%arg0: i32, %arg1: memref<2000x32xf32, #tpu.memory_space<vmem>>, %arg2: memref<2000x1xi32, #tpu.memory_space<vmem>>, %arg3: memref<40x512xf32, #tpu.memory_space<vmem>>, %arg4: memref<2000x512xf32, #tpu.memory_space<vmem>>) attributes {dimension_semantics = [#tpu.dimension_semantics<arbitrary>], iteration_bounds = array<i64: 51>, scalar_prefetch = 0 : i64, scratch_operands = 0 : i64, tpu.core_type = #tpu.core_type<tc>, window_params = [{transform_indices = @transform_0, window_bounds = array<i64: 2000, 32>}, {transform_indices = @transform_1, window_bounds = array<i64: 2000, 1>}, {pipeline_mode = #tpu.pipeline_mode<synchronous>, transform_indices = @transform_2, window_bounds = array<i64: 40, 512>}, {transform_indices = @transform_3, window_bounds = array<i64: 2000, 512>}]} {
    %get3A = arith.constant 0 : index
    %get3A_0 = arith.constant 0 : index
    %get3A_1 = vector.load %arg1[%get3A, %get3A_0] : memref<2000x32xf32, #tpu.memory_space<vmem>>, vector<2000x32xf32>
    %get3A_2 = arith.constant 0 : index
    %get3A_3 = arith.constant 0 : index
    %get3A_4 = vector.load %arg2[%get3A_2, %get3A_3] : memref<2000x1xi32, #tpu.memory_space<vmem>>, vector<2000x1xi32>
    %iota3A = tpu.iota {dimensions = array<i32: 1>} : vector<2000x5xi32>
    %eq3A = vector.broadcast %get3A_4 : vector<2000x1xi32> to vector<2000x5xi32>
    %eq3A_5 = arith.cmpi eq, %eq3A, %iota3A : vector<2000x5xi32>
    %convert_element_type3A = arith.extui %eq3A_5 : vector<2000x5xi1> to vector<2000x5xi32>
    %convert_element_type3A_6 = arith.sitofp %convert_element_type3A : vector<2000x5xi32> to vector<2000x5xf32>
    %broadcast_in_dim3A = arith.constant 0.000000e+00 : f32
    %broadcast_in_dim3A_7 = vector.broadcast %broadcast_in_dim3A : f32 to vector<2000x3xf32>
    %concatenate3A = tpu.concatenate %get3A_1, %convert_element_type3A_6, %broadcast_in_dim3A_7 in 1 : vector<2000x32xf32>, vector<2000x5xf32>, vector<2000x3xf32> -> vector<2000x40xf32>
    %get3A_8 = arith.constant 0 : index
    %get3A_9 = arith.constant 0 : index
    %get3A_10 = vector.load %arg3[%get3A_8, %get3A_9] : memref<40x512xf32, #tpu.memory_space<vmem>>, vector<40x512xf32>
    %dot_general3A = arith.constant dense<0.000000e+00> : vector<2000x512xf32>
    %dot_general3A_11 = tpu.matmul %concatenate3A, %get3A_10, %dot_general3A {dimension_numbers = #tpu.dot_dimension_numbers<[1], [0], [0], [1], [0, 0, 1, 1], [], []>, precision = #tpu.contract_precision<fp32>, transpose_lhs_hint = false} : vector<2000x40xf32>, vector<40x512xf32>, vector<2000x512xf32> -> vector<2000x512xf32>
    %mul3A = arith.constant 2000 : i32
    %mul3A_12 = arith.muli %arg0, %mul3A : i32
    %iota3A_13 = tpu.iota {dimensions = array<i32: 0>} : vector<2000x1xi32>
    %add3A = vector.broadcast %mul3A_12 : i32 to vector<2000x1xi32>
    %add3A_14 = arith.addi %add3A, %iota3A_13 : vector<2000x1xi32>
    %lt3A = arith.constant 100000 : i32
    %lt3A_15 = vector.broadcast %lt3A : i32 to vector<2000x1xi32>
    %lt3A_16 = arith.cmpi slt, %add3A_14, %lt3A_15 : vector<2000x1xi32>
    %jit3A = arith.constant 0.000000e+00 : f32
    %broadcast_in_dim3A_17 = vector.shape_cast %lt3A_16 : vector<2000x1xi1> to vector<2000x1xi1>
    %broadcast_in_dim3A_18 = vector.broadcast %broadcast_in_dim3A_17 : vector<2000x1xi1> to vector<2000x512xi1>
    %broadcast_in_dim3A_19 = vector.broadcast %jit3A : f32 to vector<2000x512xf32>
    %select_n3A = arith.select %broadcast_in_dim3A_18, %dot_general3A_11, %broadcast_in_dim3A_19 : vector<2000x512xi1>, vector<2000x512xf32>
    %swap3A = arith.constant 0 : index
    %swap3A_20 = arith.constant 0 : index
    %swap3A_21 = vector.load %arg4[%swap3A, %swap3A_20] : memref<2000x512xf32, #tpu.memory_space<vmem>>, vector<2000x512xf32>
    tpu.vector_store %arg4[%swap3A, %swap3A_20], %select_n3A {strides = array<i32>} : memref<2000x512xf32, #tpu.memory_space<vmem>>, vector<2000x512xf32>,
    return
  }
  func.func @transform_0(%arg0: i32) -> (i32, i32) {
    %c0_i32 = arith.constant 0 : i32
    %c0_i32_0 = arith.constant 0 : i32
    return %arg0, %c0_i32 : i32, i32
  }
  func.func @transform_1(%arg0: i32) -> (i32, i32) {
    %c0_i32 = arith.constant 0 : i32
    %c0_i32_0 = arith.constant 0 : i32
    return %arg0, %c0_i32 : i32, i32
  }
  func.func @transform_2(%arg0: i32) -> (i32, i32) {
    %c0_i32 = arith.constant 0 : i32
    %c0_i32_0 = arith.constant 0 : i32
    %c0_i32_1 = arith.constant 0 : i32
    return %c0_i32, %c0_i32_0 : i32, i32
  }
  func.func @transform_3(%arg0: i32) -> (i32, i32) {
    %c0_i32 = arith.constant 0 : i32
    %c0_i32_0 = arith.constant 0 : i32
    return %arg0, %c0_i32 : i32, i32
  }
}

</mosaic_0001>

<sc_bundles>
// kernel: kernel.4.cloned.1.call-start
scs
__scs_entry_jumppad:
0x0: {  	(pc) =	sbr.rel $0x88, $3  }
0x1: {  	(tag) =	ssettag $0x0;
	lr =	simm.s32 $0x1  }
0x2: {  	[smem:$0x3F9C] =	sst lr;
	_ =	strace $0xD0000000  }
0x3: {  	_ = 	snop  }
0x4: {  	_ = 	snop  }
0x5: {  	_ = 	snop  }
0x6: {  	_ = 	snop  }
0x7: {  	_ = 	snop  }
__scs_overlays_trampoline_lowered:
0x8: {  	[smem:$0x3FAB] =	sst s0  }
0x9: {  	[smem:$0x3FAC] =	sst s1  }
0xa: {  	[smem:$0x3FAD] =	sst s2  }
0xb: {  	[smem:$0x3FAE] =	sst s3  }
0xc: {  	[smem:$0x3FAF] =	sst s4  }
0xd: {  	[smem:$0x3FB0] =	sst s5  }
0xe: {  	[smem:$0x3FB1] =	sst s6  }
0xf: {  	[smem:$0x3FB2] =	sst s7  }
0x10: {  	[smem:$0x3FB3] =	sst s8  }
0x11: {  	[smem:$0x3FB4] =	sst s9;
	s0 =	simm.s32 @!p0 $0x0  }
0x12: {  	s1 =	sld [smem:$0x3F9A];
	s0 =	simm.s32 @p0 $0x1  }
0x13: {  	[smem:$0x3FB5] =	sst s0;
	s0 =	simm.s32 @!p1 $0x0  }
0x14: {  	s2 =	sld [smem:$0x3F99];
	s0 =	simm.s32 @p1 $0x1  }
0x15: {  	[smem:$0x3FB6] =	sst s0;
	s0 =	simm.s32 @!p2 $0x0  }
0x16: {  	s3 =	sld [smem:$0x3FDB];
	s0 =	simm.s32 @p2 $0x1  }
0x17: {  	s4 =	simm.s32 $0x1BF5;
	[smem:$0x3FB8] =	sst s0  }
0x18: {  	s0 =	sld [smem:$0x3F9B];
	_ =	swait.ge [sflag:s4], $0x0  }
0x19: {  	s7 =	sld [smem:$0x3F9C]  }
0x1a: {  	s8 =	sadd.s32 $0xFFFFE003, lr  }
0x1b: {  	s9 =	sadd.s32 $0xFFFFFEF7, lr;
	s5 =	simm.s32 $0xFFFFFFFF;
	p2 =	slt.u32 s8, $0xFFFFF086  }
0x1c: {  	p1 =	slt.u32 s9, $0xF7A;
	s5 =	simm.s32 @!p2 $0x0  }
0x1d: {  	s5 =	simm.s32 @p1 $0x1;
	p0 =	seq.s32 s7, s2  }
0x1e: {  	s7 =	smul.u32 @!p0 $0xF7A, s2;
	p2 =	seq.s32 @!p0 s5, $0x0  }
0x1f: {  	s9 =	smul.u32 $0xF7A, s1;
	s8 =	simm.s32 @!p0 $0x1BF5;
	p2 =	por !p2, p0  }
0x20: {  	[sflag:s8] =	ssyncset.s32 @!p0 $0xFFFFF086;
	s6 =	sadd.s32 @!p0 s3, s7;
	s7 =	simm.s32 @!p0 $0x108  }
0x21: {  	s3 =	sadd.s32 s3, s9;
	s6 =	sadd.s32 @!p0 $0x88, s6;
	s7 =	simm.s32 @p2 $0x1082  }
0x22: {  	[simem:s7], [sflag:s8] =	dma.local @!p0 [hbm:s6], $0xF7A  }
0x23: {  	s9 =	sor.u32 $0xD0000000, s2;
	s6 =	simm.s32 $0x108;
	_ =	swait.ge @!p0 [sflag:s8], $0x0  }
0x24: {  	s3 =	sadd.s32 $0x88, s3;
	s6 =	simm.s32 @!p1 $0x1082;
	[sflag:s4] =	ssyncset.s32 $0xFFFFF086  }
0x25: {  	[simem:s6], [sflag:s4] =	dma.local [hbm:s3], $0xF7A  }
0x26: {  	[smem:$0x3F9C] =	sst s1;
	(tag) =	ssettag s2;
	_ =	strace s9  }
0x27: {  	s1 =	sld [smem:$0x3FAC]  }
0x28: {  	s2 =	sld [smem:$0x3FAD]  }
0x29: {  	s4 =	sld [smem:$0x3FAF]  }
0x2a: {  	p0 =	seq.s32 s5, $0x0;
	s5 =	sld [smem:$0x3FB0]  }
0x2b: {  	s6 =	sld [smem:$0x3FB1]  }
0x2c: {  	s7 =	sld [smem:$0x3FB2]  }
0x2d: {  	s3 =	simm.s32 $0x108;
	s8 =	sld [smem:$0x3FB3]  }
0x2e: {  	s3 =	simm.s32 @!p0 $0x1082;
	s9 =	sld [smem:$0x3FB4]  }
0x2f: {  	lr =	sadd.s32 s0, s3;
	s0 =	sld [smem:$0x3FAB]  }
0x30: {  	s3 =	sld [smem:$0x3FAE]  }
0x31: {  	[smem:$0x3FB7] =	sst s10  }
0x32: {  	s10 =	sld [smem:$0x3FB5];
	_ =	sdelay $0x3  }
0x33: {  	p0 =	seq.s32 s10, $0x1;
	s10 =	sld [smem:$0x3FB7];
	_ =	sdelay $0x3  }
0x34: {  	[smem:$0x3FB7] =	sst s10  }
0x35: {  	s10 =	sld [smem:$0x3FB6];
	_ =	sdelay $0x3  }
0x36: {  	p1 =	seq.s32 s10, $0x1;
	s10 =	sld [smem:$0x3FB7];
	_ =	sdelay $0x3  }
0x37: {  	[smem:$0x3FB7] =	sst s10  }
0x38: {  	s10 =	sld [smem:$0x3FB8]  }
0x39: {  	_ = 	snop;
	(pc) =	sbr.ind lr, $3  }
0x3a: {  	_ = 	snop  }
0x3b: {  	_ = 	snop  }
0x3c: {  	p2 =	seq.s32 s10, $0x1;
	s10 =	sld [smem:$0x3FB7]  }
0x3d: {  	_ =	shalt  }
0x3e: {  	_ =	shalt  }
0x3f: {  	_ =	shalt  }
0x40: {  	_ =	shalt  }
0x41: {  	_ =	shalt  }
0x42: {  	_ =	shalt  }
0x43: {  	_ =	shalt  }
0x44: {  	_ =	shalt  }
0x45: {  	_ =	shalt  }
0x46: {  	_ =	shalt  }
0x47: {  	_ =	shalt  }
0x48: {  	_ =	shalt  }
0x49: {  	_ =	shalt  }
0x4a: {  	_ =	shalt  }
0x4b: {  	_ =	shalt  }
0x4c: {  	_ =	shalt  }
0x4d: {  	_ =	shalt  }
0x4e: {  	_ =	shalt  }
0x4f: {  	_ =	shalt  }
0x50: {  	_ =	shalt  }
0x51: {  	_ =	shalt  }
0x52: {  	_ =	shalt  }
0x53: {  	_ =	shalt  }
0x54: {  	_ =	shalt  }
0x55: {  	_ =	shalt  }
0x56: {  	_ =	shalt  }
0x57: {  	_ =	shalt  }
0x58: {  	_ =	shalt  }
0x59: {  	_ =	shalt  }
0x5a: {  	_ =	shalt  }
0x5b: {  	_ =	shalt  }
0x5c: {  	_ =	shalt  }
0x5d: {  	_ =	shalt  }
0x5e: {  	_ =	shalt  }
0x5f: {  	_ =	shalt  }
0x60: {  	_ =	shalt  }
0x61: {  	_ =	shalt  }
0x62: {  	_ =	shalt  }
0x63: {  	_ =	shalt  }
0x64: {  	_ =	shalt  }
0x65: {  	_ =	shalt  }
0x66: {  	_ =	shalt  }
0x67: {  	_ =	shalt  }
0x68: {  	_ =	shalt  }
0x69: {  	_ =	shalt  }
0x6a: {  	_ =	shalt  }
0x6b: {  	_ =	shalt  }
0x6c: {  	_ =	shalt  }
0x6d: {  	_ =	shalt  }
0x6e: {  	_ =	shalt  }
0x6f: {  	_ =	shalt  }
0x70: {  	_ =	shalt  }
0x71: {  	_ =	shalt  }
0x72: {  	_ =	shalt  }
0x73: {  	_ =	shalt  }
0x74: {  	_ =	shalt  }
0x75: {  	_ =	shalt  }
0x76: {  	_ =	shalt  }
0x77: {  	_ =	shalt  }
0x78: {  	_ =	shalt  }
0x79: {  	_ =	shalt  }
0x7a: {  	_ =	shalt  }
0x7b: {  	_ =	shalt  }
0x7c: {  	_ =	shalt  }
0x7d: {  	_ =	shalt  }
0x7e: {  	_ =	shalt  }
0x7f: {  	_ =	shalt  }
0x80: {  	_ =	shalt  }
0x81: {  	_ =	shalt  }
0x82: {  	_ =	shalt  }
0x83: {  	_ =	shalt  }
0x84: {  	_ =	shalt  }
0x85: {  	_ =	shalt  }
0x86: {  	_ =	shalt  }
0x87: {  	_ =	shalt  }
.Lfunc_end0:
.L_simem_size_0:
called_computation.1_lowered:
.L_overlay_start_0:
0x88: {  	s2 =	sld [smem:$0x3FD9]  }
0x89: {  	s3 =	sld [smem:$0x3FFE];
	_ =	sdelay $0x1  }
0x8a: {  	s1 =	srdreg.scid  }
0x8b: {  	s0 =	sand.u32 $0x1, s1  }
0x8c: {  	s17 =	sshll.u32 s0, $0xA;
	s2 =	sadd.s32 s3, s2  }
0x8d: {  	s2 =	sadd.s32 s2, s17  }
0x8e: {  	[smem:$0x3FC3] =	sst s2  }
0x8f: {  	_ = 	snop  }
0x90: {  	s2 =	sld [smem:$0x3FD0];
	(tm) =	ssettm $0x1  }
0x91: {  	s18 =	sld [smem:$0x3FFB];
	_ =	sdelay $0x3  }
0x92: {  	_ =	strace s18  }
0x93: {  	s3 =	sld [smem:$0x3FFC];
	_ =	sdelay $0x3  }
0x94: {  	_ =	strace s3  }
0x95: {  	s3 =	sld [smem:$0x3FFD];
	_ =	sdelay $0x3  }
0x96: {  	_ =	strace s3  }
0x97: {  	_ =	strace $0x8FFFFFFF  }
0x98: {  	s19 =	sld [smem:$0x3FDB];
	_ =	sdelay $0x1  }
0x99: {  	s4 =	simm.s32 $_scs_section_size  }
0x9a: {  	s5 =	simm.s32 $_size__tile_overlayer_lowered;
	s6 =	simm.s32 $_tile_overlayer_lowered  }
0x9b: {  	s22 =	simm.s32 $0x1BFF;
	s21 =	sshll.u32 s6, $0x1;
	s3 =	sadd.s32 s4, s19  }
0x9c: {  	s7 =	simm.s32 $0x0;
	s20 =	sshll.u32 s5, $0x1;
	s5 =	sadd.s32 s21, s3  }
0x9d: {  	[timem:s7], [sflag:s22] =	dma.local [hbm:s5], s20  }
0x9e: {  	_ =	swait.ge [sflag:s22], s20  }
0x9f: {  	s4 =	ssub.s32 $0x0, s20;
	[sflag:s22] =	ssyncset.done $0x0  }
0xa0: {  	[sflag:s22] =	ssyncadd.s32 s4;
	_ =	sdelay $0x1  }
0xa1: {  	s23 =	simm.s32 $0x1B8B  }
0xa2: {  	_ =	swait.ge [sflag:s23], $0x1  }
0xa3: {  	[sflag:s23] =	ssyncset.done $0x0  }
0xa4: {  	s25 =	simm.s32 $0x1B8E;
	s24 =	sld [smem:$0x3FFE];
	[sflag:s23] =	ssyncadd.s32 $0xFFFFFFFF  }
0xa5: {  	s26 =	simm.s32 $execute0_lowered;
	[smem:$0x3FD2] =	sst s25  }
0xa6: {  	s5 =	sshll.u32 s26, $0x1;
	_ =	strace $0x80000049;
	[dreg:$0x1] =	wrdreg $0xFFFFFFFF  }
0xa7: {  	s28 =	simm.s32 $_size_execute0_lowered;
	s3 =	sadd.s32 s3, s5;
	[dreg:$0x0] =	wrdreg $0x0  }
0xa8: {  	s5 =	sshll.u32 s28, $0x1;
	[dreg:$0x2] =	wrdreg s3  }
0xa9: {  	[dreg:$0x3] =	wrdreg s5  }
0xaa: {  	[dreg:$0x4] =	wrdreg $0xC0  }
0xab: {  	_ =	task [dreg:s7], $0x5FFFF  }
0xac: {  	[dreg:$0x1] =	wrdreg $0xFFFFFFFF  }
0xad: {  	[dreg:$0x0] =	wrdreg $0x60  }
0xae: {  	[dreg:$0x2] =	wrdreg s24  }
0xaf: {  	[dreg:$0x3] =	wrdreg s2  }
0xb0: {  	[dreg:$0x4] =	wrdreg $0x0  }
0xb1: {  	[dreg:$0x5] =	wrdreg $0x9  }
0xb2: {  	_ =	task.clear_ibuf [dreg:s7], $0x6FFFF;
	_ =	strace $0x90000049  }
0xb3: {  	s29 =	simm.s32 $0x9;
	_ =	strace $0x8000004B  }
0xb4: {  	_ =	swait.ge [sflag:s29], $0x1  }
0xb5: {  	[sflag:s29] =	ssyncadd.s32 $0xFFFFFFFF  }
0xb6: {  	_ =	strace $0x9000004B  }
0xb7: {  	_ =	sfence  }
0xb8: {  	s30 =	sld [smem:$0x0];
	_ =	sdelay $0x2  }
0xb9: {  	s31 =	sshll.u32 s1, $0xD;
	s1 =	sshrl.u32 s1, $0x2  }
0xba: {  	s3 =	sand.u32 $0x4000, s31;
	s1 =	sadd.s32 s1, s30  }
0xbb: {  	s0 =	sor.u32 s3, s0;
	s1 =	sshll.u32 s1, $0x11  }
0xbc: {  	s0 =	sor.u32 s1, s0  }
0xbd: {  	s0 =	sadd.s32 $0x8F2B, s0  }
0xbe: {  	[sflag:s0] =	ssyncadd.remote.s32 $0x1  }
0xbf: {  	_ =	sfence.sel $0xFFFF  }
0xc0: {  	[dreg:$0x0] =	wrdreg $0xFFFFFFFF;
	(pc) =	sbr.abs _section_cstart, $3  }
0xc1: {  	[dreg:$0x1] =	wrdreg $0xFFFFFFFF  }
0xc2: {  	_ =	task.clear_ibuf [dreg:s7], $0x2FFFF;
	_ =	strace $0x9FFFFFFF  }
0xc3: {  	(tm) =	ssettm $0x7FFFFFFF  }
tec
execute0_lowered:
.L_overlay_start_1:
0x0: {  	(tag) =	ssettag $0x1  }
0x1: {  	s0 =	rddreg [dreg:$0x0]  }
0x2: {  	s2 =	rddreg [dreg:$0x1]  }
0x3: {  	s1 =	rddreg [dreg:$0x2];
	s13 =	simm.s32 $0x0;
	s4 =	srdreg.scid  }
0x4: {  	s9 =	stileid.u32;
	s16 =	simm.s32 $0x80;
	s29 =	simm.s32 $0x3  }
0x5: {  	s31 =	simm.s32 $0x4;
	s11 =	simm.s32 $0x7;
	s12 =	simm.s32 $0xC  }
0x6: {  	s14 =	simm.s32 $0xE;
	s15 =	simm.s32 $0xF;
	[smem:$0x7FF] =	sst s13  }
0x7: {  	s3 =	sadd.s32 $0x947600, s0;
	s5 =	sadd.s32 $0x600, s0;
	s21 =	smul.u32 $0x18700, s9  }
0x8: {  	s4 =	sand.u32 $0x1, s4;
	s6 =	sadd.s32 $0x31600, s0;
	s7 =	smul.u32 $0x310, s9  }
0x9: {  	s0 =	sadd.s32 $0x62600, s0;
	_ =	strace $0x8000004A;
	[dreg:$0x5] =	wrdreg s5  }
0xa: {  	s9 =	sshll.u32 s9, $0x6;
	[dreg:$0x6] =	wrdreg s6;
	s24 =	smul.u32 $0x1C, s4  }
0xb: {  	s22 =	ssub.s32 $0x2, s4;
	[dreg:$0x8] =	wrdreg s0;
	s25 =	smul.u32 $0x61C00, s4  }
0xc: {  	s4 =	sshllo.u32 s4, $0x1;
	s17 =	sor.u32 $0x1C11, s9;
	s6 =	simm.s32 $0x11  }
0xd: {  	[dreg:$0x7] =	wrdreg s7;
	s23 =	sshrl.u32 s22, $0x1;
	s10 =	smul.u32 $0xE, s4  }
0xe: {  	s8 =	sadd.s32 s21, s1;
	s4 =	smul.u32 $0x30E00, s4;
	s5 =	sshrl.u32 s21, $0x3  }
0xf: {  	s7 =	simm.s32 $0xA;
	[dreg:$0x9] =	wrdreg s17;
	s0 =	ssub.s32 s22, s23  }
0x10: {  	s9 =	sadd.s32 s3, s24;
	s26 =	sadd.s32 s2, s25;
	s18 =	sshrl.u32 s8, $0x3  }
0x11: {  	s22 =	simm.s32 $0x1;
	s23 =	simm.s32 $0x8;
	s24 =	simm.s32 $0x9  }
0x12: {  	s8 =	simm.s32 $0xB;
	s10 =	sadd.s32 s3, s10;
	s2 =	sadd.s32 s2, s4  }
0x13: {  	s0 =	smax.u32 s0, $0x1;
	s28 =	sadd.s32 s5, s26;
	[dreg:$0xb] =	wrdreg s18  }
0x14: {  	s26 =	simm.s32 $0x2;
	s3 =	simm.s32 $0x6;
	[dreg:$0xa] =	wrdreg s0  }
0x15: {  	s4 =	simm.s32 $0x10;
	[dreg:$0xc] =	wrdreg s28;
	s30 =	sadd.s32 s5, s2  }
0x16: {  	s0 =	simm.s32 $0x5;
	s2 =	simm.s32 $0xD;
	[dreg:$0xd] =	wrdreg s30  }
.LBB2_1:
0x17: {  	[dreg:$0x4] =	wrdreg s13  }
0x18: {  	s5 =	rddreg [dreg:$0x8]  }
0x19: {  	[spmem:s18], [sflag:s17] =	dma.local [hbm:s5], $0x30E0  }
0x1a: {  	_ =	swait.ge [sflag:s6], $0x30E0  }
0x1b: {  	s13 =	simm.s32 $0x1BF00;
	[sflag:s6] =	ssyncset.done $0x0  }
0x1c: {  	s30 =	simm.s32 $0x1EF00;
	s25 =	simm.s32 $0x1DF00;
	[sflag:s6] =	ssyncadd.s32 $0xFFFFCF20  }
0x1d: {  	s5 =	simm.s32 $0x0;
	s17 =	simm.s32 $0x11;
	[bflag:$0x0] =	sbarrier.arrive $0xFFFF  }
.LBB2_2:
0x1e: {  	s21 =	smul.u32 $0x38, s5  }
0x1f: {  	s6 =	rddreg [dreg:$0x7]  }
0x20: {  	[dreg:$0xe] =	wrdreg s5;
	s5 =	sadd.s32 s6, s21  }
0x21: {  	s28 =	rddreg [dreg:$0x5];
	s5 =	sshll.u32 s5, $0x4  }
0x22: {  	s19 =	simm.s32 $0x0;
	s18 =	simm.s32 $0x18700;
	s6 =	sadd.s32 s28, s5  }
0x23: {  	[tilespmem:s18], [sflag:$0x11] =	stream.linear.gather [hbm4b:s6+s19], $0x1C00, $0x38;
	[tilespmem:$0x1FF00] =	vst v63  }
0x24: {  	_ =	swait.ge [sflag:s17], $0x1C00  }
0x25: {  	[sflag:s17] =	ssyncset.done $0x0;
	s18 =	rddreg [dreg:$0x6]  }
0x26: {  	s20 =	simm.s32 $0x1A300;
	[sflag:s17] =	ssyncadd.s32 $0xFFFFE400;
	s5 =	sadd.s32 s18, s5  }
0x27: {  	[tilespmem:s20], [sflag:$0x11] =	stream.linear.gather [hbm4b:s5+s19], $0x1C00, $0x38;
	[tilespmem:$0x1FF00] =	vst v63  }
0x28: {  	_ =	swait.ge [sflag:s17], $0x1C00  }
0x29: {  	[sflag:s17] =	ssyncset.done $0x0  }
0x2a: {  	s21 =	simm.s32 $0x18700;
	[sflag:s17] =	ssyncadd.s32 $0xFFFFE400  }
0x2b: {  	[tilespmem:s13], [sflag:$0x1] =	stream.indirect.gather [hbm4b:s9+s16], $0x10, s21, s16, $0xb8;
	[tilespmem:$0x1FF00] =	vst v63  }
0x2c: {  	s28 =	simm.s32 $0x18780;
	s6 =	simm.s32 $0x1C700  }
0x2d: {  	[tilespmem:s6], [sflag:$0x2] =	stream.indirect.gather [hbm4b:s9+s16], $0x10, s28, s16, $0xb8;
	[tilespmem:$0x1FF00] =	vst v63  }
0x2e: {  	s18 =	simm.s32 $0x1CF00;
	s17 =	simm.s32 $0x18800  }
0x2f: {  	[tilespmem:s18], [sflag:$0x3] =	stream.indirect.gather [hbm4b:s9+s16], $0x10, s17, s16, $0xb8;
	[tilespmem:$0x1FF00] =	vst v63  }
0x30: {  	s19 =	simm.s32 $0x18880;
	s17 =	simm.s32 $0x1D700  }
0x31: {  	[tilespmem:s17], [sflag:$0x4] =	stream.indirect.gather [hbm4b:s9+s16], $0x10, s19, s16, $0xb8;
	[tilespmem:$0x1FF00] =	vst v63  }
0x32: {  	s20 =	simm.s32 $0x18900  }
0x33: {  	[tilespmem:s25], [sflag:$0x5] =	stream.indirect.gather [hbm4b:s9+s16], $0x10, s20, s16, $0xb8;
	[tilespmem:$0x1FF00] =	vst v63  }
0x34: {  	_ =	swait.ge [sflag:s22], $0x800  }
0x35: {  	[sflag:s22] =	ssyncset.done $0x0  }
0x36: {  	s21 =	simm.s32 $0x1A300;
	[sflag:s22] =	ssyncadd.s32 $0xFFFFF800  }
0x37: {  	[spmem:s1] =	stream.indirect.scatter.add.f32 [tilespmem:s13], [sflag:$0x9], $0x10, s21, s16, $0xb8;
	[tilespmem:$0x1FF00] =	vst v63  }
0x38: {  	s28 =	simm.s32 $0x18980;
	s13 =	simm.s32 $0x1E700  }
0x39: {  	[tilespmem:s13], [sflag:$0x6] =	stream.indirect.gather [hbm4b:s9+s16], $0x10, s28, s16, $0xb8;
	[tilespmem:$0x1FF00] =	vst v63  }
0x3a: {  	_ =	swait.ge [sflag:s26], $0x800  }
0x3b: {  	[sflag:s26] =	ssyncset.done $0x0  }
0x3c: {  	s19 =	simm.s32 $0x1A380;
	[sflag:s26] =	ssyncadd.s32 $0xFFFFF800  }
0x3d: {  	[spmem:s1] =	stream.indirect.scatter.add.f32 [tilespmem:s6], [sflag:$0xA], $0x10, s19, s16, $0xb8;
	[tilespmem:$0x1FF00] =	vst v63  }
0x3e: {  	s20 =	simm.s32 $0x18A00  }
0x3f: {  	[tilespmem:s30], [sflag:$0x7] =	stream.indirect.gather [hbm4b:s9+s16], $0x10, s20, s16, $0xb8;
	[tilespmem:$0x1FF00] =	vst v63  }
0x40: {  	_ =	swait.ge [sflag:s29], $0x800  }
0x41: {  	[sflag:s29] =	ssyncset.done $0x0  }
0x42: {  	s21 =	simm.s32 $0x1A400;
	[sflag:s29] =	ssyncadd.s32 $0xFFFFF800  }
0x43: {  	[spmem:s1] =	stream.indirect.scatter.add.f32 [tilespmem:s18], [sflag:$0xB], $0x10, s21, s16, $0xb8;
	[tilespmem:$0x1FF00] =	vst v63  }
0x44: {  	s28 =	simm.s32 $0x18A80;
	s6 =	simm.s32 $0x1F700  }
0x45: {  	[tilespmem:s6], [sflag:$0x8] =	stream.indirect.gather [hbm4b:s9+s16], $0x10, s28, s16, $0xb8;
	[tilespmem:$0x1FF00] =	vst v63  }
0x46: {  	_ =	swait.ge [sflag:s31], $0x800  }
0x47: {  	[sflag:s31] =	ssyncset.done $0x0  }
0x48: {  	s18 =	simm.s32 $0x1A480;
	[sflag:s31] =	ssyncadd.s32 $0xFFFFF800  }
0x49: {  	[spmem:s1] =	stream.indirect.scatter.add.f32 [tilespmem:s17], [sflag:$0xC], $0x10, s18, s16, $0xb8;
	[tilespmem:$0x1FF00] =	vst v63  }
0x4a: {  	_ =	swait.ge [sflag:s0], $0x800  }
0x4b: {  	[sflag:s0] =	ssyncset.done $0x0  }
0x4c: {  	s19 =	simm.s32 $0x1A500;
	[sflag:s0] =	ssyncadd.s32 $0xFFFFF800  }
0x4d: {  	[spmem:s1] =	stream.indirect.scatter.add.f32 [tilespmem:s25], [sflag:$0xD], $0x10, s19, s16, $0xb8;
	[tilespmem:$0x1FF00] =	vst v63  }
0x4e: {  	_ =	swait.ge [sflag:s3], $0x800  }
0x4f: {  	[sflag:s3] =	ssyncset.done $0x0  }
0x50: {  	s20 =	simm.s32 $0x1A580;
	[sflag:s3] =	ssyncadd.s32 $0xFFFFF800  }
0x51: {  	[spmem:s1] =	stream.indirect.scatter.add.f32 [tilespmem:s13], [sflag:$0xE], $0x10, s20, s16, $0xb8;
	[tilespmem:$0x1FF00] =	vst v63  }
0x52: {  	_ =	swait.ge [sflag:s11], $0x800  }
0x53: {  	[sflag:s11] =	ssyncset.done $0x0  }
0x54: {  	s21 =	simm.s32 $0x1A600;
	[sflag:s11] =	ssyncadd.s32 $0xFFFFF800  }
0x55: {  	[spmem:s1] =	stream.indirect.scatter.add.f32 [tilespmem:s30], [sflag:$0xF], $0x10, s21, s16, $0xb8;
	[tilespmem:$0x1FF00] =	vst v63  }
0x56: {  	_ =	swait.ge [sflag:s23], $0x800  }
0x57: {  	[sflag:s23] =	ssyncset.done $0x0  }
0x58: {  	s28 =	simm.s32 $0x1A680;
	[sflag:s23] =	ssyncadd.s32 $0xFFFFF800  }
0x59: {  	[spmem:s1] =	stream.indirect.scatter.add.f32 [tilespmem:s6], [sflag:$0x10], $0x10, s28, s16, $0xb8;
	[tilespmem:$0x1FF00] =	vst v63  }
0x5a: {  	_ =	swait.ge [sflag:s24], $0x800  }
0x5b: {  	[sflag:s24] =	ssyncset.done $0x0  }
0x5c: {  	[sflag:s24] =	ssyncadd.s32 $0xFFFFF800  }
0x5d: {  	_ =	swait.ge [sflag:s7], $0x800  }
0x5e: {  	[sflag:s7] =	ssyncset.done $0x0  }
0x5f: {  	[sflag:s7] =	ssyncadd.s32 $0xFFFFF800  }
0x60: {  	_ =	swait.ge [sflag:s8], $0x800  }
0x61: {  	[sflag:s8] =	ssyncset.done $0x0  }
0x62: {  	[sflag:s8] =	ssyncadd.s32 $0xFFFFF800  }
0x63: {  	_ =	swait.ge [sflag:s12], $0x800  }
0x64: {  	[sflag:s12] =	ssyncset.done $0x0  }
0x65: {  	[sflag:s12] =	ssyncadd.s32 $0xFFFFF800  }
0x66: {  	_ =	swait.ge [sflag:s2], $0x800  }
0x67: {  	[sflag:s2] =	ssyncset.done $0x0  }
0x68: {  	[sflag:s2] =	ssyncadd.s32 $0xFFFFF800  }
0x69: {  	_ =	swait.ge [sflag:s14], $0x800  }
0x6a: {  	[sflag:s14] =	ssyncset.done $0x0  }
0x6b: {  	[sflag:s14] =	ssyncadd.s32 $0xFFFFF800  }
0x6c: {  	_ =	swait.ge [sflag:s15], $0x800  }
0x6d: {  	[sflag:s15] =	ssyncset.done $0x0  }
0x6e: {  	[sflag:s15] =	ssyncadd.s32 $0xFFFFF800  }
0x6f: {  	_ =	swait.ge [sflag:s4], $0x800  }
0x70: {  	s13 =	simm.s32 $0x2000;
	s6 =	simm.s32 $0x400;
	[sflag:s4] =	ssyncset.done $0x0  }
.LBB2_3:
0x71: {  	s19 =	simm.s32 $0x1BF00;
	s18 =	sadd.s32 $0x18700, s6  }
0x72: {  	[sflag:s4] =	ssyncadd.s32 $0xFFFFF800;
	s5 =	smov.u32 s13;
	s17 =	sadd.s32 $0x1000, s13  }
0x73: {  	[tilespmem:s19], [sflag:$0x1] =	stream.indirect.gather [hbm4b:s9+s16], $0x10, s18, s16, $0xb8;
	[tilespmem:$0x1FF00] =	vst v63  }
0x74: {  	s19 =	simm.s32 $0x1C700;
	s18 =	simm.s32 $0x1BF00  }
0x75: {  	p0 =	sne.s32 s13, $0x6000;
	s13 =	sadd.s32 $0x18780, s6  }
0x76: {  	[tilespmem:s19], [sflag:$0x2] =	stream.indirect.gather [hbm4b:s9+s16], $0x10, s13, s16, $0xb8;
	[tilespmem:$0x1FF00] =	vst v63  }
0x77: {  	s21 =	simm.s32 $0x1CF00;
	s13 =	sadd.s32 $0x18800, s6  }
0x78: {  	[tilespmem:s21], [sflag:$0x3] =	stream.indirect.gather [hbm4b:s9+s16], $0x10, s13, s16, $0xb8;
	[tilespmem:$0x1FF00] =	vst v63  }
0x79: {  	s28 =	simm.s32 $0x1D700;
	s13 =	sadd.s32 $0x18880, s6  }
0x7a: {  	[tilespmem:s28], [sflag:$0x4] =	stream.indirect.gather [hbm4b:s9+s16], $0x10, s13, s16, $0xb8;
	[tilespmem:$0x1FF00] =	vst v63  }
0x7b: {  	s13 =	sadd.s32 $0x18900, s6  }
0x7c: {  	[tilespmem:s25], [sflag:$0x5] =	stream.indirect.gather [hbm4b:s9+s16], $0x10, s13, s16, $0xb8;
	[tilespmem:$0x1FF00] =	vst v63  }
0x7d: {  	_ =	swait.ge [sflag:s22], $0x800  }
0x7e: {  	[sflag:s22] =	ssyncset.done $0x0  }
0x7f: {  	s13 =	sadd.s32 $0x1A300, s6;
	[sflag:s22] =	ssyncadd.s32 $0xFFFFF800  }
0x80: {  	[spmem:s1] =	stream.indirect.scatter.add.f32 [tilespmem:s18], [sflag:$0x9], $0x10, s13, s16, $0xb8;
	[tilespmem:$0x1FF00] =	vst v63  }
0x81: {  	s20 =	simm.s32 $0x1E700;
	s13 =	sadd.s32 $0x18980, s6  }
0x82: {  	[tilespmem:s20], [sflag:$0x6] =	stream.indirect.gather [hbm4b:s9+s16], $0x10, s13, s16, $0xb8;
	[tilespmem:$0x1FF00] =	vst v63  }
0x83: {  	_ =	swait.ge [sflag:s26], $0x800  }
0x84: {  	[sflag:s26] =	ssyncset.done $0x0  }
0x85: {  	s13 =	sadd.s32 $0x1A380, s6;
	[sflag:s26] =	ssyncadd.s32 $0xFFFFF800  }
0x86: {  	[spmem:s1] =	stream.indirect.scatter.add.f32 [tilespmem:s19], [sflag:$0xA], $0x10, s13, s16, $0xb8;
	[tilespmem:$0x1FF00] =	vst v63  }
0x87: {  	s13 =	sadd.s32 $0x18A00, s6  }
0x88: {  	[tilespmem:s30], [sflag:$0x7] =	stream.indirect.gather [hbm4b:s9+s16], $0x10, s13, s16, $0xb8;
	[tilespmem:$0x1FF00] =	vst v63  }
0x89: {  	_ =	swait.ge [sflag:s29], $0x800  }
0x8a: {  	[sflag:s29] =	ssyncset.done $0x0  }
0x8b: {  	s13 =	sadd.s32 $0x1A400, s6;
	[sflag:s29] =	ssyncadd.s32 $0xFFFFF800  }
0x8c: {  	[spmem:s1] =	stream.indirect.scatter.add.f32 [tilespmem:s21], [sflag:$0xB], $0x10, s13, s16, $0xb8;
	[tilespmem:$0x1FF00] =	vst v63  }
0x8d: {  	s13 =	sadd.s32 $0x18A80, s6;
	s21 =	simm.s32 $0x1F700  }
0x8e: {  	[tilespmem:s21], [sflag:$0x8] =	stream.indirect.gather [hbm4b:s9+s16], $0x10, s13, s16, $0xb8;
	[tilespmem:$0x1FF00] =	vst v63  }
0x8f: {  	_ =	swait.ge [sflag:s31], $0x800  }
0x90: {  	[sflag:s31] =	ssyncset.done $0x0  }
0x91: {  	s13 =	sadd.s32 $0x1A480, s6;
	[sflag:s31] =	ssyncadd.s32 $0xFFFFF800  }
0x92: {  	[spmem:s1] =	stream.indirect.scatter.add.f32 [tilespmem:s28], [sflag:$0xC], $0x10, s13, s16, $0xb8;
	[tilespmem:$0x1FF00] =	vst v63  }
0x93: {  	_ =	swait.ge [sflag:s0], $0x800  }
0x94: {  	[sflag:s0] =	ssyncset.done $0x0  }
0x95: {  	s13 =	sadd.s32 $0x1A500, s6;
	[sflag:s0] =	ssyncadd.s32 $0xFFFFF800  }
0x96: {  	[spmem:s1] =	stream.indirect.scatter.add.f32 [tilespmem:s25], [sflag:$0xD], $0x10, s13, s16, $0xb8;
	[tilespmem:$0x1FF00] =	vst v63  }
0x97: {  	_ =	swait.ge [sflag:s3], $0x800  }
0x98: {  	[sflag:s3] =	ssyncset.done $0x0  }
0x99: {  	s13 =	sadd.s32 $0x1A580, s6;
	[sflag:s3] =	ssyncadd.s32 $0xFFFFF800  }
0x9a: {  	[spmem:s1] =	stream.indirect.scatter.add.f32 [tilespmem:s20], [sflag:$0xE], $0x10, s13, s16, $0xb8;
	[tilespmem:$0x1FF00] =	vst v63  }
0x9b: {  	_ =	swait.ge [sflag:s11], $0x800  }
0x9c: {  	[sflag:s11] =	ssyncset.done $0x0  }
0x9d: {  	s13 =	sadd.s32 $0x1A600, s6;
	[sflag:s11] =	ssyncadd.s32 $0xFFFFF800  }
0x9e: {  	[spmem:s1] =	stream.indirect.scatter.add.f32 [tilespmem:s30], [sflag:$0xF], $0x10, s13, s16, $0xb8;
	[tilespmem:$0x1FF00] =	vst v63  }
0x9f: {  	_ =	swait.ge [sflag:s23], $0x800  }
0xa0: {  	[sflag:s23] =	ssyncset.done $0x0  }
0xa1: {  	s6 =	sadd.s32 $0x1A680, s6;
	[sflag:s23] =	ssyncadd.s32 $0xFFFFF800  }
0xa2: {  	[spmem:s1] =	stream.indirect.scatter.add.f32 [tilespmem:s21], [sflag:$0x10], $0x10, s6, s16, $0xb8;
	[tilespmem:$0x1FF00] =	vst v63  }
0xa3: {  	_ =	swait.ge [sflag:s24], $0x800  }
0xa4: {  	[sflag:s24] =	ssyncset.done $0x0  }
0xa5: {  	[sflag:s24] =	ssyncadd.s32 $0xFFFFF800  }
0xa6: {  	_ =	swait.ge [sflag:s7], $0x800  }
0xa7: {  	[sflag:s7] =	ssyncset.done $0x0  }
0xa8: {  	[sflag:s7] =	ssyncadd.s32 $0xFFFFF800  }
0xa9: {  	_ =	swait.ge [sflag:s8], $0x800  }
0xaa: {  	[sflag:s8] =	ssyncset.done $0x0  }
0xab: {  	[sflag:s8] =	ssyncadd.s32 $0xFFFFF800  }
0xac: {  	_ =	swait.ge [sflag:s12], $0x800  }
0xad: {  	[sflag:s12] =	ssyncset.done $0x0  }
0xae: {  	[sflag:s12] =	ssyncadd.s32 $0xFFFFF800  }
0xaf: {  	_ =	swait.ge [sflag:s2], $0x800  }
0xb0: {  	[sflag:s2] =	ssyncset.done $0x0  }
0xb1: {  	[sflag:s2] =	ssyncadd.s32 $0xFFFFF800  }
0xb2: {  	_ =	swait.ge [sflag:s14], $0x800  }
0xb3: {  	[sflag:s14] =	ssyncset.done $0x0  }
0xb4: {  	[sflag:s14] =	ssyncadd.s32 $0xFFFFF800  }
.Ltmp0:
0xb5: {  	_ =	swait.ge [sflag:s15], $0x800;
	(pc) =	sbr.rel @p0 .LBB2_3-.Ltmp0, $4  }
0xb6: {  	[sflag:s15] =	ssyncset.done $0x0  }
0xb7: {  	[sflag:s15] =	ssyncadd.s32 $0xFFFFF800  }
0xb8: {  	_ =	swait.ge [sflag:s4], $0x800  }
0xb9: {  	s13 =	smov.u32 s17;
	s6 =	sshra.s32 s5, $0x2;
	[sflag:s4] =	ssyncset.done $0x0  }
0xba: {  	s5 =	sadd.s32 $0x18700, s6;
	[sflag:s4] =	ssyncadd.s32 $0xFFFFF800  }
0xbb: {  	[tilespmem:s18], [sflag:$0x1] =	stream.indirect.gather [hbm4b:s9+s16], $0x10, s5, s16, $0xb8;
	[tilespmem:$0x1FF00] =	vst v63  }
0xbc: {  	s20 =	sadd.s32 $0x18780, s6  }
0xbd: {  	[tilespmem:s19], [sflag:$0x2] =	stream.indirect.gather [hbm4b:s9+s16], $0x10, s20, s16, $0xb8;
	[tilespmem:$0x1FF00] =	vst v63  }
0xbe: {  	s21 =	sadd.s32 $0x18800, s6;
	s13 =	simm.s32 $0x1CF00  }
0xbf: {  	[tilespmem:s13], [sflag:$0x3] =	stream.indirect.gather [hbm4b:s9+s16], $0x10, s21, s16, $0xb8;
	[tilespmem:$0x1FF00] =	vst v63  }
0xc0: {  	s28 =	sadd.s32 $0x18880, s6;
	s17 =	simm.s32 $0x1D700  }
0xc1: {  	[tilespmem:s17], [sflag:$0x4] =	stream.indirect.gather [hbm4b:s9+s16], $0x10, s28, s16, $0xb8;
	[tilespmem:$0x1FF00] =	vst v63  }
0xc2: {  	s20 =	sadd.s32 $0x18900, s6  }
0xc3: {  	[tilespmem:s25], [sflag:$0x5] =	stream.indirect.gather [hbm4b:s9+s16], $0x10, s20, s16, $0xb8;
	[tilespmem:$0x1FF00] =	vst v63  }
0xc4: {  	_ =	swait.ge [sflag:s22], $0x800  }
0xc5: {  	[sflag:s22] =	ssyncset.done $0x0  }
0xc6: {  	s21 =	sadd.s32 $0x1A300, s6;
	[sflag:s22] =	ssyncadd.s32 $0xFFFFF800  }
0xc7: {  	[spmem:s1] =	stream.indirect.scatter.add.f32 [tilespmem:s18], [sflag:$0x9], $0x10, s21, s16, $0xb8;
	[tilespmem:$0x1FF00] =	vst v63  }
0xc8: {  	s28 =	sadd.s32 $0x18980, s6;
	s18 =	simm.s32 $0x1E700  }
0xc9: {  	[tilespmem:s18], [sflag:$0x6] =	stream.indirect.gather [hbm4b:s9+s16], $0x10, s28, s16, $0xb8;
	[tilespmem:$0x1FF00] =	vst v63  }
0xca: {  	_ =	swait.ge [sflag:s26], $0x800  }
0xcb: {  	[sflag:s26] =	ssyncset.done $0x0  }
0xcc: {  	s20 =	sadd.s32 $0x1A380, s6;
	[sflag:s26] =	ssyncadd.s32 $0xFFFFF800  }
0xcd: {  	[spmem:s1] =	stream.indirect.scatter.add.f32 [tilespmem:s19], [sflag:$0xA], $0x10, s20, s16, $0xb8;
	[tilespmem:$0x1FF00] =	vst v63  }
0xce: {  	s21 =	sadd.s32 $0x18A00, s6  }
0xcf: {  	[tilespmem:s30], [sflag:$0x7] =	stream.indirect.gather [hbm4b:s9+s16], $0x10, s21, s16, $0xb8;
	[tilespmem:$0x1FF00] =	vst v63  }
0xd0: {  	_ =	swait.ge [sflag:s29], $0x800  }
0xd1: {  	[sflag:s29] =	ssyncset.done $0x0  }
0xd2: {  	s28 =	sadd.s32 $0x1A400, s6;
	[sflag:s29] =	ssyncadd.s32 $0xFFFFF800  }
0xd3: {  	[spmem:s1] =	stream.indirect.scatter.add.f32 [tilespmem:s13], [sflag:$0xB], $0x10, s28, s16, $0xb8;
	[tilespmem:$0x1FF00] =	vst v63  }
0xd4: {  	s20 =	sadd.s32 $0x18A80, s6;
	s13 =	simm.s32 $0x1F700  }
0xd5: {  	[tilespmem:s13], [sflag:$0x8] =	stream.indirect.gather [hbm4b:s9+s16], $0x10, s20, s16, $0xb8;
	[tilespmem:$0x1FF00] =	vst v63  }
0xd6: {  	_ =	swait.ge [sflag:s31], $0x800  }
0xd7: {  	[sflag:s31] =	ssyncset.done $0x0  }
0xd8: {  	s21 =	sadd.s32 $0x1A480, s6;
	[sflag:s31] =	ssyncadd.s32 $0xFFFFF800  }
0xd9: {  	[spmem:s1] =	stream.indirect.scatter.add.f32 [tilespmem:s17], [sflag:$0xC], $0x10, s21, s16, $0xb8;
	[tilespmem:$0x1FF00] =	vst v63  }
0xda: {  	_ =	swait.ge [sflag:s0], $0x800  }
0xdb: {  	[sflag:s0] =	ssyncset.done $0x0  }
0xdc: {  	s28 =	sadd.s32 $0x1A500, s6;
	[sflag:s0] =	ssyncadd.s32 $0xFFFFF800  }
0xdd: {  	[spmem:s1] =	stream.indirect.scatter.add.f32 [tilespmem:s25], [sflag:$0xD], $0x10, s28, s16, $0xb8;
	[tilespmem:$0x1FF00] =	vst v63  }
0xde: {  	_ =	swait.ge [sflag:s3], $0x800  }
0xdf: {  	[sflag:s3] =	ssyncset.done $0x0  }
0xe0: {  	s17 =	sadd.s32 $0x1A580, s6;
	[sflag:s3] =	ssyncadd.s32 $0xFFFFF800  }
0xe1: {  	[spmem:s1] =	stream.indirect.scatter.add.f32 [tilespmem:s18], [sflag:$0xE], $0x10, s17, s16, $0xb8;
	[tilespmem:$0x1FF00] =	vst v63  }
0xe2: {  	_ =	swait.ge [sflag:s11], $0x800  }
0xe3: {  	[sflag:s11] =	ssyncset.done $0x0  }
0xe4: {  	s20 =	sadd.s32 $0x1A600, s6;
	[sflag:s11] =	ssyncadd.s32 $0xFFFFF800  }
0xe5: {  	[spmem:s1] =	stream.indirect.scatter.add.f32 [tilespmem:s30], [sflag:$0xF], $0x10, s20, s16, $0xb8;
	[tilespmem:$0x1FF00] =	vst v63  }
0xe6: {  	_ =	swait.ge [sflag:s23], $0x800  }
0xe7: {  	[sflag:s23] =	ssyncset.done $0x0  }
0xe8: {  	s21 =	sadd.s32 $0x1A680, s6;
	[sflag:s23] =	ssyncadd.s32 $0xFFFFF800  }
0xe9: {  	[spmem:s1] =	stream.indirect.scatter.add.f32 [tilespmem:s13], [sflag:$0x10], $0x10, s21, s16, $0xb8;
	[tilespmem:$0x1FF00] =	vst v63  }
0xea: {  	_ =	swait.ge [sflag:s24], $0x800  }
0xeb: {  	[sflag:s24] =	ssyncset.done $0x0  }
0xec: {  	[sflag:s24] =	ssyncadd.s32 $0xFFFFF800  }
0xed: {  	_ =	swait.ge [sflag:s7], $0x800  }
0xee: {  	[sflag:s7] =	ssyncset.done $0x0  }
0xef: {  	[sflag:s7] =	ssyncadd.s32 $0xFFFFF800  }
0xf0: {  	_ =	swait.ge [sflag:s8], $0x800  }
0xf1: {  	[sflag:s8] =	ssyncset.done $0x0  }
0xf2: {  	[sflag:s8] =	ssyncadd.s32 $0xFFFFF800  }
0xf3: {  	_ =	swait.ge [sflag:s12], $0x800  }
0xf4: {  	[sflag:s12] =	ssyncset.done $0x0  }
0xf5: {  	[sflag:s12] =	ssyncadd.s32 $0xFFFFF800  }
0xf6: {  	_ =	swait.ge [sflag:s2], $0x800  }
0xf7: {  	[sflag:s2] =	ssyncset.done $0x0  }
0xf8: {  	[sflag:s2] =	ssyncadd.s32 $0xFFFFF800  }
0xf9: {  	_ =	swait.ge [sflag:s14], $0x800  }
0xfa: {  	[sflag:s14] =	ssyncset.done $0x0  }
0xfb: {  	[sflag:s14] =	ssyncadd.s32 $0xFFFFF800  }
0xfc: {  	_ =	swait.ge [sflag:s15], $0x800  }
0xfd: {  	[sflag:s15] =	ssyncset.done $0x0  }
0xfe: {  	[sflag:s15] =	ssyncadd.s32 $0xFFFFF800  }
0xff: {  	_ =	swait.ge [sflag:s4], $0x800  }
0x100: {  	s28 =	rddreg [dreg:$0xe]  }
0x101: {  	s5 =	sadd.s32 $0x1, s28  }
0x102: {  	p0 =	sne.s32 s5, $0xE  }
.Ltmp1:
0x103: {  	_ = 	snop;
	(pc) =	sbr.rel @p0 .LBB2_2-.Ltmp1, $3  }
0x104: {  	_ =	sdelay $0x1  }
0x105: {  	[sflag:s4] =	ssyncset.done $0x0  }
0x106: {  	s17 =	simm.s32 $0x11;
	s13 =	simm.s32 $0x1BF00;
	[sflag:s4] =	ssyncadd.s32 $0xFFFFF800  }
0x107: {  	[bflag:$0x0] =	sbarrier.arrive $0xFFFF  }
0x108: {  	s18 =	simm.s32 $0x1BF00;
	s6 =	rddreg [dreg:$0x9]  }
0x109: {  	s20 =	simm.s32 $0x1D700;
	s21 =	simm.s32 $0x1DF00;
	s13 =	rddreg [dreg:$0xb]  }
0x10a: {  	s25 =	simm.s32 $0x1E700;
	s28 =	simm.s32 $0x1EF00;
	s5 =	rddreg [dreg:$0xc]  }
0x10b: {  	[hbm:s5], [sflag:s6] =	dma.local [spmem:s13], $0x30E0  }
0x10c: {  	s22 =	simm.s32 $0x10;
	s4 =	simm.s32 $0xF;
	_ =	swait.ge [sflag:s17], $0x30E0  }
0x10d: {  	s15 =	simm.s32 $0xE;
	s14 =	simm.s32 $0xD;
	[sflag:s17] =	ssyncset.done $0x0  }
0x10e: {  	s2 =	simm.s32 $0xC;
	s12 =	simm.s32 $0xB;
	[sflag:s17] =	ssyncadd.s32 $0xFFFFCF20  }
0x10f: {  	s8 =	simm.s32 $0xA;
	s7 =	simm.s32 $0x9;
	[bflag:$0x0] =	sbarrier.arrive $0xFFFF  }
0x110: {  	s24 =	simm.s32 $0x8;
	s23 =	simm.s32 $0x7;
	s26 =	rddreg [dreg:$0x8]  }
0x111: {  	[spmem:s13], [sflag:s6] =	dma.local [hbm:s26], $0x30E0  }
0x112: {  	s11 =	simm.s32 $0x6;
	s0 =	simm.s32 $0x4;
	_ =	swait.ge [sflag:s17], $0x30E0  }
0x113: {  	s31 =	simm.s32 $0x3;
	s29 =	simm.s32 $0x2;
	[sflag:s17] =	ssyncset.done $0x0  }
0x114: {  	s30 =	simm.s32 $0x1F700;
	s5 =	simm.s32 $0x0;
	[sflag:s17] =	ssyncadd.s32 $0xFFFFCF20  }
0x115: {  	s26 =	simm.s32 $0x1;
	s17 =	simm.s32 $0x1CF00;
	[bflag:$0x0] =	sbarrier.arrive $0xFFFF  }
.LBB2_6:
0x116: {  	s13 =	smul.u32 $0x38, s5  }
0x117: {  	s6 =	rddreg [dreg:$0x7]  }
0x118: {  	[dreg:$0xf] =	wrdreg s5;
	s5 =	sadd.s32 s6, s13  }
0x119: {  	s3 =	rddreg [dreg:$0x5];
	s5 =	sshll.u32 s5, $0x4  }
0x11a: {  	s13 =	simm.s32 $0x18700;
	s6 =	sadd.s32 s3, s5;
	s3 =	simm.s32 $0x0  }
0x11b: {  	[tilespmem:s13], [sflag:$0x11] =	stream.linear.gather [hbm4b:s6+s3], $0x1C00, $0x38;
	[tilespmem:$0x1FF00] =	vst v63  }
0x11c: {  	s13 =	simm.s32 $0x11  }
0x11d: {  	_ =	swait.ge [sflag:s13], $0x1C00  }
0x11e: {  	[sflag:s13] =	ssyncset.done $0x0;
	s6 =	rddreg [dreg:$0x6]  }
0x11f: {  	[sflag:s13] =	ssyncadd.s32 $0xFFFFE400;
	s5 =	sadd.s32 s6, s5;
	s6 =	simm.s32 $0x1A300  }
0x120: {  	[tilespmem:s6], [sflag:$0x11] =	stream.linear.gather [hbm4b:s5+s3], $0x1C00, $0x38;
	[tilespmem:$0x1FF00] =	vst v63  }
0x121: {  	_ =	swait.ge [sflag:s13], $0x1C00  }
0x122: {  	[sflag:s13] =	ssyncset.done $0x0  }
0x123: {  	[sflag:s13] =	ssyncadd.s32 $0xFFFFE400;
	s13 =	simm.s32 $0x18700  }
0x124: {  	[tilespmem:s18], [sflag:$0x1] =	stream.indirect.gather [hbm4b:s10+s16], $0x10, s13, s16, $0xb8;
	[tilespmem:$0x1FF00] =	vst v63  }
0x125: {  	s3 =	simm.s32 $0x18780  }
0x126: {  	[tilespmem:s19], [sflag:$0x2] =	stream.indirect.gather [hbm4b:s10+s16], $0x10, s3, s16, $0xb8;
	[tilespmem:$0x1FF00] =	vst v63  }
0x127: {  	s6 =	simm.s32 $0x18800  }
0x128: {  	[tilespmem:s17], [sflag:$0x3] =	stream.indirect.gather [hbm4b:s10+s16], $0x10, s6, s16, $0xb8;
	[tilespmem:$0x1FF00] =	vst v63  }
0x129: {  	s13 =	simm.s32 $0x18880  }
0x12a: {  	[tilespmem:s20], [sflag:$0x4] =	stream.indirect.gather [hbm4b:s10+s16], $0x10, s13, s16, $0xb8;
	[tilespmem:$0x1FF00] =	vst v63  }
0x12b: {  	s3 =	simm.s32 $0x18900  }
0x12c: {  	[tilespmem:s21], [sflag:$0x5] =	stream.indirect.gather [hbm4b:s10+s16], $0x10, s3, s16, $0xb8;
	[tilespmem:$0x1FF00] =	vst v63  }
0x12d: {  	_ =	swait.ge [sflag:s26], $0x800  }
0x12e: {  	[sflag:s26] =	ssyncset.done $0x0  }
0x12f: {  	s6 =	simm.s32 $0x1A300;
	[sflag:s26] =	ssyncadd.s32 $0xFFFFF800  }
0x130: {  	[spmem:s1] =	stream.indirect.scatter.add.f32 [tilespmem:s18], [sflag:$0x9], $0x10, s6, s16, $0xb8;
	[tilespmem:$0x1FF00] =	vst v63  }
0x131: {  	s13 =	simm.s32 $0x18980  }
0x132: {  	[tilespmem:s25], [sflag:$0x6] =	stream.indirect.gather [hbm4b:s10+s16], $0x10, s13, s16, $0xb8;
	[tilespmem:$0x1FF00] =	vst v63  }
0x133: {  	_ =	swait.ge [sflag:s29], $0x800  }
0x134: {  	[sflag:s29] =	ssyncset.done $0x0  }
0x135: {  	s18 =	simm.s32 $0x1A380;
	[sflag:s29] =	ssyncadd.s32 $0xFFFFF800  }
0x136: {  	[spmem:s1] =	stream.indirect.scatter.add.f32 [tilespmem:s19], [sflag:$0xA], $0x10, s18, s16, $0xb8;
	[tilespmem:$0x1FF00] =	vst v63  }
0x137: {  	s3 =	simm.s32 $0x18A00  }
0x138: {  	[tilespmem:s28], [sflag:$0x7] =	stream.indirect.gather [hbm4b:s10+s16], $0x10, s3, s16, $0xb8;
	[tilespmem:$0x1FF00] =	vst v63  }
0x139: {  	_ =	swait.ge [sflag:s31], $0x800  }
0x13a: {  	[sflag:s31] =	ssyncset.done $0x0  }
0x13b: {  	s6 =	simm.s32 $0x1A400;
	[sflag:s31] =	ssyncadd.s32 $0xFFFFF800  }
0x13c: {  	[spmem:s1] =	stream.indirect.scatter.add.f32 [tilespmem:s17], [sflag:$0xB], $0x10, s6, s16, $0xb8;
	[tilespmem:$0x1FF00] =	vst v63  }
0x13d: {  	s13 =	simm.s32 $0x18A80  }
0x13e: {  	[tilespmem:s30], [sflag:$0x8] =	stream.indirect.gather [hbm4b:s10+s16], $0x10, s13, s16, $0xb8;
	[tilespmem:$0x1FF00] =	vst v63  }
0x13f: {  	_ =	swait.ge [sflag:s0], $0x800  }
0x140: {  	[sflag:s0] =	ssyncset.done $0x0  }
0x141: {  	s18 =	simm.s32 $0x5;
	s17 =	simm.s32 $0x1A480;
	[sflag:s0] =	ssyncadd.s32 $0xFFFFF800  }
0x142: {  	[spmem:s1] =	stream.indirect.scatter.add.f32 [tilespmem:s20], [sflag:$0xC], $0x10, s17, s16, $0xb8;
	[tilespmem:$0x1FF00] =	vst v63  }
0x143: {  	_ =	swait.ge [sflag:s18], $0x800  }
0x144: {  	[sflag:s18] =	ssyncset.done $0x0  }
0x145: {  	s19 =	simm.s32 $0x1A500;
	[sflag:s18] =	ssyncadd.s32 $0xFFFFF800  }
0x146: {  	[spmem:s1] =	stream.indirect.scatter.add.f32 [tilespmem:s21], [sflag:$0xD], $0x10, s19, s16, $0xb8;
	[tilespmem:$0x1FF00] =	vst v63  }
0x147: {  	_ =	swait.ge [sflag:s11], $0x800  }
0x148: {  	[sflag:s11] =	ssyncset.done $0x0  }
0x149: {  	s20 =	simm.s32 $0x1A580;
	[sflag:s11] =	ssyncadd.s32 $0xFFFFF800  }
0x14a: {  	[spmem:s1] =	stream.indirect.scatter.add.f32 [tilespmem:s25], [sflag:$0xE], $0x10, s20, s16, $0xb8;
	[tilespmem:$0x1FF00] =	vst v63  }
0x14b: {  	_ =	swait.ge [sflag:s23], $0x800  }
0x14c: {  	[sflag:s23] =	ssyncset.done $0x0  }
0x14d: {  	s21 =	simm.s32 $0x1A600;
	[sflag:s23] =	ssyncadd.s32 $0xFFFFF800  }
0x14e: {  	[spmem:s1] =	stream.indirect.scatter.add.f32 [tilespmem:s28], [sflag:$0xF], $0x10, s21, s16, $0xb8;
	[tilespmem:$0x1FF00] =	vst v63  }
0x14f: {  	_ =	swait.ge [sflag:s24], $0x800  }
0x150: {  	[sflag:s24] =	ssyncset.done $0x0  }
0x151: {  	s25 =	simm.s32 $0x1A680;
	[sflag:s24] =	ssyncadd.s32 $0xFFFFF800  }
0x152: {  	[spmem:s1] =	stream.indirect.scatter.add.f32 [tilespmem:s30], [sflag:$0x10], $0x10, s25, s16, $0xb8;
	[tilespmem:$0x1FF00] =	vst v63  }
0x153: {  	_ =	swait.ge [sflag:s7], $0x800  }
0x154: {  	[sflag:s7] =	ssyncset.done $0x0  }
0x155: {  	[sflag:s7] =	ssyncadd.s32 $0xFFFFF800  }
0x156: {  	_ =	swait.ge [sflag:s8], $0x800  }
0x157: {  	[sflag:s8] =	ssyncset.done $0x0  }
0x158: {  	[sflag:s8] =	ssyncadd.s32 $0xFFFFF800  }
0x159: {  	_ =	swait.ge [sflag:s12], $0x800  }
0x15a: {  	[sflag:s12] =	ssyncset.done $0x0  }
0x15b: {  	[sflag:s12] =	ssyncadd.s32 $0xFFFFF800  }
0x15c: {  	_ =	swait.ge [sflag:s2], $0x800  }
0x15d: {  	[sflag:s2] =	ssyncset.done $0x0  }
0x15e: {  	[sflag:s2] =	ssyncadd.s32 $0xFFFFF800  }
0x15f: {  	_ =	swait.ge [sflag:s14], $0x800  }
0x160: {  	[sflag:s14] =	ssyncset.done $0x0  }
0x161: {  	[sflag:s14] =	ssyncadd.s32 $0xFFFFF800  }
0x162: {  	_ =	swait.ge [sflag:s15], $0x800  }
0x163: {  	[sflag:s15] =	ssyncset.done $0x0  }
0x164: {  	[sflag:s15] =	ssyncadd.s32 $0xFFFFF800  }
0x165: {  	_ =	swait.ge [sflag:s4], $0x800  }
0x166: {  	s5 =	simm.s32 $0x400;
	[sflag:s4] =	ssyncset.done $0x0  }
0x167: {  	s17 =	simm.s32 $0x2000;
	s20 =	simm.s32 $0x1CF00;
	[sflag:s4] =	ssyncadd.s32 $0xFFFFF800  }
0x168: {  	s28 =	simm.s32 $0x1E700;
	s21 =	simm.s32 $0x1D700;
	_ =	swait.ge [sflag:s22], $0x800  }
0x169: {  	s30 =	simm.s32 $0x1EF00;
	s25 =	simm.s32 $0x1DF00;
	[sflag:s22] =	ssyncset.done $0x0  }
.LBB2_7:
0x16a: {  	s19 =	simm.s32 $0x1BF00;
	s18 =	sadd.s32 $0x18700, s5  }
0x16b: {  	[sflag:s22] =	ssyncadd.s32 $0xFFFFF800;
	s6 =	smov.u32 s17;
	s13 =	sadd.s32 $0x1000, s17  }
0x16c: {  	[tilespmem:s19], [sflag:$0x1] =	stream.indirect.gather [hbm4b:s10+s16], $0x10, s18, s16, $0xb8;
	[tilespmem:$0x1FF00] =	vst v63  }
0x16d: {  	s19 =	simm.s32 $0x1C700;
	s18 =	simm.s32 $0x1BF00  }
0x16e: {  	p0 =	sne.s32 s17, $0x6000;
	s17 =	sadd.s32 $0x18780, s5  }
0x16f: {  	[tilespmem:s19], [sflag:$0x2] =	stream.indirect.gather [hbm4b:s10+s16], $0x10, s17, s16, $0xb8;
	[tilespmem:$0x1FF00] =	vst v63  }
0x170: {  	s17 =	sadd.s32 $0x18800, s5  }
0x171: {  	[tilespmem:s20], [sflag:$0x3] =	stream.indirect.gather [hbm4b:s10+s16], $0x10, s17, s16, $0xb8;
	[tilespmem:$0x1FF00] =	vst v63  }
0x172: {  	s17 =	sadd.s32 $0x18880, s5  }
0x173: {  	[tilespmem:s21], [sflag:$0x4] =	stream.indirect.gather [hbm4b:s10+s16], $0x10, s17, s16, $0xb8;
	[tilespmem:$0x1FF00] =	vst v63  }
0x174: {  	s17 =	sadd.s32 $0x18900, s5  }
0x175: {  	[tilespmem:s25], [sflag:$0x5] =	stream.indirect.gather [hbm4b:s10+s16], $0x10, s17, s16, $0xb8;
	[tilespmem:$0x1FF00] =	vst v63  }
0x176: {  	_ =	swait.ge [sflag:s26], $0x800  }
0x177: {  	[sflag:s26] =	ssyncset.done $0x0  }
0x178: {  	s17 =	sadd.s32 $0x1A300, s5;
	[sflag:s26] =	ssyncadd.s32 $0xFFFFF800  }
0x179: {  	[spmem:s1] =	stream.indirect.scatter.add.f32 [tilespmem:s18], [sflag:$0x9], $0x10, s17, s16, $0xb8;
	[tilespmem:$0x1FF00] =	vst v63  }
0x17a: {  	s17 =	sadd.s32 $0x18980, s5  }
0x17b: {  	[tilespmem:s28], [sflag:$0x6] =	stream.indirect.gather [hbm4b:s10+s16], $0x10, s17, s16, $0xb8;
	[tilespmem:$0x1FF00] =	vst v63  }
0x17c: {  	_ =	swait.ge [sflag:s29], $0x800  }
0x17d: {  	[sflag:s29] =	ssyncset.done $0x0  }
0x17e: {  	s17 =	sadd.s32 $0x1A380, s5;
	[sflag:s29] =	ssyncadd.s32 $0xFFFFF800  }
0x17f: {  	[spmem:s1] =	stream.indirect.scatter.add.f32 [tilespmem:s19], [sflag:$0xA], $0x10, s17, s16, $0xb8;
	[tilespmem:$0x1FF00] =	vst v63  }
0x180: {  	s17 =	sadd.s32 $0x18A00, s5  }
0x181: {  	[tilespmem:s30], [sflag:$0x7] =	stream.indirect.gather [hbm4b:s10+s16], $0x10, s17, s16, $0xb8;
	[tilespmem:$0x1FF00] =	vst v63  }
0x182: {  	_ =	swait.ge [sflag:s31], $0x800  }
0x183: {  	[sflag:s31] =	ssyncset.done $0x0  }
0x184: {  	s17 =	sadd.s32 $0x1A400, s5;
	[sflag:s31] =	ssyncadd.s32 $0xFFFFF800  }
0x185: {  	[spmem:s1] =	stream.indirect.scatter.add.f32 [tilespmem:s20], [sflag:$0xB], $0x10, s17, s16, $0xb8;
	[tilespmem:$0x1FF00] =	vst v63  }
0x186: {  	s3 =	simm.s32 $0x1F700;
	s17 =	sadd.s32 $0x18A80, s5  }
0x187: {  	[tilespmem:s3], [sflag:$0x8] =	stream.indirect.gather [hbm4b:s10+s16], $0x10, s17, s16, $0xb8;
	[tilespmem:$0x1FF00] =	vst v63  }
0x188: {  	_ =	swait.ge [sflag:s0], $0x800  }
0x189: {  	[sflag:s0] =	ssyncset.done $0x0  }
0x18a: {  	s17 =	sadd.s32 $0x1A480, s5;
	[sflag:s0] =	ssyncadd.s32 $0xFFFFF800  }
0x18b: {  	[spmem:s1] =	stream.indirect.scatter.add.f32 [tilespmem:s21], [sflag:$0xC], $0x10, s17, s16, $0xb8;
	[tilespmem:$0x1FF00] =	vst v63  }
0x18c: {  	s17 =	simm.s32 $0x5  }
0x18d: {  	_ =	swait.ge [sflag:s17], $0x800  }
0x18e: {  	[sflag:s17] =	ssyncset.done $0x0  }
0x18f: {  	[sflag:s17] =	ssyncadd.s32 $0xFFFFF800;
	s17 =	sadd.s32 $0x1A500, s5  }
0x190: {  	[spmem:s1] =	stream.indirect.scatter.add.f32 [tilespmem:s25], [sflag:$0xD], $0x10, s17, s16, $0xb8;
	[tilespmem:$0x1FF00] =	vst v63  }
0x191: {  	_ =	swait.ge [sflag:s11], $0x800  }
0x192: {  	[sflag:s11] =	ssyncset.done $0x0  }
0x193: {  	s17 =	sadd.s32 $0x1A580, s5;
	[sflag:s11] =	ssyncadd.s32 $0xFFFFF800  }
0x194: {  	[spmem:s1] =	stream.indirect.scatter.add.f32 [tilespmem:s28], [sflag:$0xE], $0x10, s17, s16, $0xb8;
	[tilespmem:$0x1FF00] =	vst v63  }
0x195: {  	_ =	swait.ge [sflag:s23], $0x800  }
0x196: {  	[sflag:s23] =	ssyncset.done $0x0  }
0x197: {  	s17 =	sadd.s32 $0x1A600, s5;
	[sflag:s23] =	ssyncadd.s32 $0xFFFFF800  }
0x198: {  	[spmem:s1] =	stream.indirect.scatter.add.f32 [tilespmem:s30], [sflag:$0xF], $0x10, s17, s16, $0xb8;
	[tilespmem:$0x1FF00] =	vst v63  }
0x199: {  	_ =	swait.ge [sflag:s24], $0x800  }
0x19a: {  	[sflag:s24] =	ssyncset.done $0x0  }
0x19b: {  	s5 =	sadd.s32 $0x1A680, s5;
	[sflag:s24] =	ssyncadd.s32 $0xFFFFF800  }
0x19c: {  	[spmem:s1] =	stream.indirect.scatter.add.f32 [tilespmem:s3], [sflag:$0x10], $0x10, s5, s16, $0xb8;
	[tilespmem:$0x1FF00] =	vst v63  }
0x19d: {  	_ =	swait.ge [sflag:s7], $0x800  }
0x19e: {  	[sflag:s7] =	ssyncset.done $0x0  }
0x19f: {  	[sflag:s7] =	ssyncadd.s32 $0xFFFFF800  }
0x1a0: {  	_ =	swait.ge [sflag:s8], $0x800  }
0x1a1: {  	[sflag:s8] =	ssyncset.done $0x0  }
0x1a2: {  	[sflag:s8] =	ssyncadd.s32 $0xFFFFF800  }
0x1a3: {  	_ =	swait.ge [sflag:s12], $0x800  }
0x1a4: {  	[sflag:s12] =	ssyncset.done $0x0  }
0x1a5: {  	[sflag:s12] =	ssyncadd.s32 $0xFFFFF800  }
0x1a6: {  	_ =	swait.ge [sflag:s2], $0x800  }
0x1a7: {  	[sflag:s2] =	ssyncset.done $0x0  }
0x1a8: {  	[sflag:s2] =	ssyncadd.s32 $0xFFFFF800  }
0x1a9: {  	_ =	swait.ge [sflag:s14], $0x800  }
0x1aa: {  	[sflag:s14] =	ssyncset.done $0x0  }
0x1ab: {  	[sflag:s14] =	ssyncadd.s32 $0xFFFFF800  }
0x1ac: {  	_ =	swait.ge [sflag:s15], $0x800  }
0x1ad: {  	[sflag:s15] =	ssyncset.done $0x0  }
0x1ae: {  	[sflag:s15] =	ssyncadd.s32 $0xFFFFF800  }
.Ltmp2:
0x1af: {  	_ =	swait.ge [sflag:s4], $0x800;
	(pc) =	sbr.rel @p0 .LBB2_7-.Ltmp2, $4  }
0x1b0: {  	[sflag:s4] =	ssyncset.done $0x0  }
0x1b1: {  	[sflag:s4] =	ssyncadd.s32 $0xFFFFF800  }
0x1b2: {  	_ =	swait.ge [sflag:s22], $0x800  }
0x1b3: {  	s17 =	smov.u32 s13;
	s5 =	sshra.s32 s6, $0x2;
	[sflag:s22] =	ssyncset.done $0x0  }
0x1b4: {  	s6 =	sadd.s32 $0x18700, s5;
	[sflag:s22] =	ssyncadd.s32 $0xFFFFF800  }
0x1b5: {  	[tilespmem:s18], [sflag:$0x1] =	stream.indirect.gather [hbm4b:s10+s16], $0x10, s6, s16, $0xb8;
	[tilespmem:$0x1FF00] =	vst v63  }
0x1b6: {  	s17 =	sadd.s32 $0x18780, s5  }
0x1b7: {  	[tilespmem:s19], [sflag:$0x2] =	stream.indirect.gather [hbm4b:s10+s16], $0x10, s17, s16, $0xb8;
	[tilespmem:$0x1FF00] =	vst v63  }
0x1b8: {  	s3 =	sadd.s32 $0x18800, s5  }
0x1b9: {  	[tilespmem:s20], [sflag:$0x3] =	stream.indirect.gather [hbm4b:s10+s16], $0x10, s3, s16, $0xb8;
	[tilespmem:$0x1FF00] =	vst v63  }
0x1ba: {  	s13 =	sadd.s32 $0x18880, s5  }
0x1bb: {  	[tilespmem:s21], [sflag:$0x4] =	stream.indirect.gather [hbm4b:s10+s16], $0x10, s13, s16, $0xb8;
	[tilespmem:$0x1FF00] =	vst v63  }
0x1bc: {  	s17 =	sadd.s32 $0x18900, s5  }
0x1bd: {  	[tilespmem:s25], [sflag:$0x5] =	stream.indirect.gather [hbm4b:s10+s16], $0x10, s17, s16, $0xb8;
	[tilespmem:$0x1FF00] =	vst v63  }
0x1be: {  	_ =	swait.ge [sflag:s26], $0x800  }
0x1bf: {  	[sflag:s26] =	ssyncset.done $0x0  }
0x1c0: {  	s3 =	sadd.s32 $0x1A300, s5;
	[sflag:s26] =	ssyncadd.s32 $0xFFFFF800  }
0x1c1: {  	[spmem:s1] =	stream.indirect.scatter.add.f32 [tilespmem:s18], [sflag:$0x9], $0x10, s3, s16, $0xb8;
	[tilespmem:$0x1FF00] =	vst v63  }
0x1c2: {  	s13 =	sadd.s32 $0x18980, s5  }
0x1c3: {  	[tilespmem:s28], [sflag:$0x6] =	stream.indirect.gather [hbm4b:s10+s16], $0x10, s13, s16, $0xb8;
	[tilespmem:$0x1FF00] =	vst v63  }
0x1c4: {  	_ =	swait.ge [sflag:s29], $0x800  }
0x1c5: {  	[sflag:s29] =	ssyncset.done $0x0  }
0x1c6: {  	s17 =	sadd.s32 $0x1A380, s5;
	[sflag:s29] =	ssyncadd.s32 $0xFFFFF800  }
0x1c7: {  	[spmem:s1] =	stream.indirect.scatter.add.f32 [tilespmem:s19], [sflag:$0xA], $0x10, s17, s16, $0xb8;
	[tilespmem:$0x1FF00] =	vst v63  }
0x1c8: {  	s3 =	sadd.s32 $0x18A00, s5  }
0x1c9: {  	[tilespmem:s30], [sflag:$0x7] =	stream.indirect.gather [hbm4b:s10+s16], $0x10, s3, s16, $0xb8;
	[tilespmem:$0x1FF00] =	vst v63  }
0x1ca: {  	_ =	swait.ge [sflag:s31], $0x800  }
0x1cb: {  	[sflag:s31] =	ssyncset.done $0x0  }
0x1cc: {  	s13 =	sadd.s32 $0x1A400, s5;
	[sflag:s31] =	ssyncadd.s32 $0xFFFFF800  }
0x1cd: {  	[spmem:s1] =	stream.indirect.scatter.add.f32 [tilespmem:s20], [sflag:$0xB], $0x10, s13, s16, $0xb8;
	[tilespmem:$0x1FF00] =	vst v63  }
0x1ce: {  	s17 =	sadd.s32 $0x18A80, s5;
	s3 =	simm.s32 $0x1F700  }
0x1cf: {  	[tilespmem:s3], [sflag:$0x8] =	stream.indirect.gather [hbm4b:s10+s16], $0x10, s17, s16, $0xb8;
	[tilespmem:$0x1FF00] =	vst v63  }
0x1d0: {  	_ =	swait.ge [sflag:s0], $0x800  }
0x1d1: {  	[sflag:s0] =	ssyncset.done $0x0  }
0x1d2: {  	s20 =	sadd.s32 $0x1A480, s5;
	[sflag:s0] =	ssyncadd.s32 $0xFFFFF800  }
0x1d3: {  	[spmem:s1] =	stream.indirect.scatter.add.f32 [tilespmem:s21], [sflag:$0xC], $0x10, s20, s16, $0xb8;
	[tilespmem:$0x1FF00] =	vst v63  }
0x1d4: {  	s21 =	simm.s32 $0x5  }
0x1d5: {  	_ =	swait.ge [sflag:s21], $0x800  }
0x1d6: {  	[sflag:s21] =	ssyncset.done $0x0  }
0x1d7: {  	s13 =	sadd.s32 $0x1A500, s5;
	[sflag:s21] =	ssyncadd.s32 $0xFFFFF800  }
0x1d8: {  	[spmem:s1] =	stream.indirect.scatter.add.f32 [tilespmem:s25], [sflag:$0xD], $0x10, s13, s16, $0xb8;
	[tilespmem:$0x1FF00] =	vst v63  }
0x1d9: {  	_ =	swait.ge [sflag:s11], $0x800  }
0x1da: {  	[sflag:s11] =	ssyncset.done $0x0  }
0x1db: {  	s17 =	sadd.s32 $0x1A580, s5;
	[sflag:s11] =	ssyncadd.s32 $0xFFFFF800  }
0x1dc: {  	[spmem:s1] =	stream.indirect.scatter.add.f32 [tilespmem:s28], [sflag:$0xE], $0x10, s17, s16, $0xb8;
	[tilespmem:$0x1FF00] =	vst v63  }
0x1dd: {  	_ =	swait.ge [sflag:s23], $0x800  }
0x1de: {  	[sflag:s23] =	ssyncset.done $0x0  }
0x1df: {  	s20 =	sadd.s32 $0x1A600, s5;
	[sflag:s23] =	ssyncadd.s32 $0xFFFFF800  }
0x1e0: {  	[spmem:s1] =	stream.indirect.scatter.add.f32 [tilespmem:s30], [sflag:$0xF], $0x10, s20, s16, $0xb8;
	[tilespmem:$0x1FF00] =	vst v63  }
0x1e1: {  	_ =	swait.ge [sflag:s24], $0x800  }
0x1e2: {  	[sflag:s24] =	ssyncset.done $0x0  }
0x1e3: {  	s21 =	sadd.s32 $0x1A680, s5;
	[sflag:s24] =	ssyncadd.s32 $0xFFFFF800  }
0x1e4: {  	[spmem:s1] =	stream.indirect.scatter.add.f32 [tilespmem:s3], [sflag:$0x10], $0x10, s21, s16, $0xb8;
	[tilespmem:$0x1FF00] =	vst v63  }
0x1e5: {  	_ =	swait.ge [sflag:s7], $0x800  }
0x1e6: {  	[sflag:s7] =	ssyncset.done $0x0  }
0x1e7: {  	[sflag:s7] =	ssyncadd.s32 $0xFFFFF800  }
0x1e8: {  	_ =	swait.ge [sflag:s8], $0x800  }
0x1e9: {  	[sflag:s8] =	ssyncset.done $0x0  }
0x1ea: {  	[sflag:s8] =	ssyncadd.s32 $0xFFFFF800  }
0x1eb: {  	_ =	swait.ge [sflag:s12], $0x800  }
0x1ec: {  	[sflag:s12] =	ssyncset.done $0x0  }
0x1ed: {  	[sflag:s12] =	ssyncadd.s32 $0xFFFFF800  }
0x1ee: {  	_ =	swait.ge [sflag:s2], $0x800  }
0x1ef: {  	[sflag:s2] =	ssyncset.done $0x0  }
0x1f0: {  	[sflag:s2] =	ssyncadd.s32 $0xFFFFF800  }
0x1f1: {  	_ =	swait.ge [sflag:s14], $0x800  }
0x1f2: {  	[sflag:s14] =	ssyncset.done $0x0  }
0x1f3: {  	[sflag:s14] =	ssyncadd.s32 $0xFFFFF800  }
0x1f4: {  	_ =	swait.ge [sflag:s15], $0x800  }
0x1f5: {  	[sflag:s15] =	ssyncset.done $0x0  }
0x1f6: {  	[sflag:s15] =	ssyncadd.s32 $0xFFFFF800  }
0x1f7: {  	_ =	swait.ge [sflag:s4], $0x800  }
0x1f8: {  	[sflag:s4] =	ssyncset.done $0x0  }
0x1f9: {  	[sflag:s4] =	ssyncadd.s32 $0xFFFFF800  }
0x1fa: {  	_ =	swait.ge [sflag:s22], $0x800  }
0x1fb: {  	s25 =	rddreg [dreg:$0xf]  }
0x1fc: {  	s5 =	sadd.s32 $0x1, s25  }
0x1fd: {  	p0 =	sne.s32 s5, $0xE  }
.Ltmp3:
0x1fe: {  	_ = 	snop;
	(pc) =	sbr.rel @p0 .LBB2_6-.Ltmp3, $4  }
0x1ff: {  	_ = 	snop  }
0x200: {  	s17 =	simm.s32 $0x1CF00;
	s28 =	simm.s32 $0x1EF00  }
0x201: {  	s20 =	simm.s32 $0x1D700;
	s30 =	simm.s32 $0x1F700;
	[sflag:s22] =	ssyncset.done $0x0  }
0x202: {  	s21 =	simm.s32 $0x1DF00;
	[sflag:s22] =	ssyncadd.s32 $0xFFFFF800;
	s25 =	simm.s32 $0x1E700  }
0x203: {  	[bflag:$0x0] =	sbarrier.arrive $0xFFFF  }
0x204: {  	s17 =	rddreg [dreg:$0x9]  }
0x205: {  	s18 =	rddreg [dreg:$0xb]  }
0x206: {  	s6 =	simm.s32 $0x11;
	s5 =	rddreg [dreg:$0xd]  }
0x207: {  	[hbm:s5], [sflag:s17] =	dma.local [spmem:s18], $0x30E0  }
0x208: {  	_ =	swait.ge [sflag:s6], $0x30E0  }
0x209: {  	s22 =	simm.s32 $0x1;
	s26 =	simm.s32 $0x2;
	s13 =	rddreg [dreg:$0x4]  }
0x20a: {  	s29 =	simm.s32 $0x3;
	s30 =	rddreg [dreg:$0xa];
	s13 =	sadd.s32 $0x1, s13  }
0x20b: {  	s31 =	simm.s32 $0x4;
	s0 =	simm.s32 $0x5;
	p0 =	sne.s32 s13, s30  }
.Ltmp4:
0x20c: {  	s3 =	simm.s32 $0x6;
	s11 =	simm.s32 $0x7;
	(pc) =	sbr.rel @p0 .LBB2_1-.Ltmp4, $4  }
0x20d: {  	s23 =	simm.s32 $0x8;
	s24 =	simm.s32 $0x9;
	[sflag:s6] =	ssyncset.done $0x0  }
0x20e: {  	s7 =	simm.s32 $0xA;
	s8 =	simm.s32 $0xB;
	[sflag:s6] =	ssyncadd.s32 $0xFFFFCF20  }
0x20f: {  	s12 =	simm.s32 $0xC;
	s2 =	simm.s32 $0xD;
	[bflag:$0x0] =	sbarrier.arrive $0xFFFF  }
0x210: {  	s14 =	simm.s32 $0xE;
	s15 =	simm.s32 $0xF;
	s4 =	simm.s32 $0x10  }
0x211: {  	_ =	sfence.sel $0x180000  }
0x212: {  	[bflag:$0x0] =	sbarrier.arrive $0xFFFF  }
0x213: {  	_ =	strace $0x9000004A  }
0x214: {  	s0 =	stileid.u32;
	[bflag:$0x2] =	sbarrier.arrive $0xFFFF  }
0x215: {  	p0 =	sne.s32 s0, $0x0;
	s0 =	rddreg [dreg:$0x3]  }
0x216: {  	s0 =	sadd.s32 @!p0 $0x100000, s0  }
0x217: {  	[sflag:s0] =	ssyncadd.tile.s32 @!p0 $0x1;
	_ =	shalt  }
.Lfunc_end2:
_tile_overlayer_lowered:
.L_overlay_start_2:
0x218: {  	(tag) =	ssettag $0x2  }
0x219: {  	s0 =	rddreg [dreg:$0x0];
	s2 =	stileid.u32  }
0x21a: {  	s1 =	rddreg [dreg:$0x1];
	p0 =	sne.s32 s2, $0x0  }
0x21b: {  	s3 =	rddreg [dreg:$0x2];
	[bflag:$0x3] =	sbarrier.arrive $0xFFFF;
	s2 =	simm.s32 @!p0 $0x1C11  }
0x21c: {  	[timem:s3], [sflag:s2] =	dma.local @!p0 [hbm:s0], s1  }
0x21d: {  	s0 =	simm.s32 @!p0 $0x11  }
0x21e: {  	_ =	swait.ge @!p0 [sflag:s0], s1  }
0x21f: {  	s1 =	ssub.s32 @!p0 $0x0, s1;
	[sflag:s0] =	ssyncset.done @!p0 $0x0  }
0x220: {  	[sflag:s0] =	ssyncadd.s32 @!p0 s1  }
0x221: {  	[bflag:$0x3] =	sbarrier.arrive $0xFFFF  }
0x222: {  	_ =	shalt  }

// kernel: sparse-core-data-format-call.cloned.1.call-start
scs
called_computation_lowered:
.L_overlay_start_0:
0x0: {  	s1 =	sld [smem:$0x3FD9]  }
0x1: {  	s2 =	sld [smem:$0x3FFE];
	_ =	sdelay $0x1  }
0x2: {  	s3 =	srdreg.scid  }
0x3: {  	s0 =	sand.u32 $0x1, s3  }
0x4: {  	s17 =	sshll.u32 s0, $0xA;
	s1 =	sadd.s32 s2, s1  }
0x5: {  	s1 =	sadd.s32 s1, s17  }
0x6: {  	[smem:$0x3FC3] =	sst s1  }
0x7: {  	_ = 	snop  }
0x8: {  	(tm) =	ssettm $0x1  }
0x9: {  	s18 =	sld [smem:$0x3FFB];
	_ =	sdelay $0x3  }
0xa: {  	_ =	strace s18  }
0xb: {  	s1 =	sld [smem:$0x3FFC];
	_ =	sdelay $0x3  }
0xc: {  	_ =	strace s1  }
0xd: {  	s1 =	sld [smem:$0x3FFD];
	_ =	sdelay $0x3  }
0xe: {  	_ =	strace s1  }
0xf: {  	_ =	strace $0x8FFFFFFF  }
0x10: {  	s19 =	sld [smem:$0x3FDB];
	_ =	sdelay $0x1  }
0x11: {  	s20 =	simm.s32 $_scs_section_size  }
0x12: {  	s4 =	simm.s32 $_size__tile_overlayer_lowered;
	s5 =	simm.s32 $_tile_overlayer_lowered  }
0x13: {  	s23 =	simm.s32 $0x1BFF;
	s22 =	sshll.u32 s5, $0x1;
	s1 =	sadd.s32 s20, s19  }
0x14: {  	s6 =	simm.s32 $0x0;
	s21 =	sshll.u32 s4, $0x1;
	s4 =	sadd.s32 s22, s1  }
0x15: {  	[timem:s6], [sflag:s23] =	dma.local [hbm:s4], s21  }
0x16: {  	_ =	swait.ge [sflag:s23], s21  }
0x17: {  	s2 =	ssub.s32 $0x0, s21;
	[sflag:s23] =	ssyncset.done $0x0  }
0x18: {  	[sflag:s23] =	ssyncadd.s32 s2;
	_ =	sdelay $0x1  }
0x19: {  	s24 =	simm.s32 $0x1B8B  }
0x1a: {  	_ =	swait.ge [sflag:s24], $0x1  }
0x1b: {  	[sflag:s24] =	ssyncset.done $0x0  }
0x1c: {  	s26 =	simm.s32 $0x1B8E;
	s25 =	sld [smem:$0x3FFE];
	[sflag:s24] =	ssyncadd.s32 $0xFFFFFFFF  }
0x1d: {  	s27 =	simm.s32 $execute0_lowered;
	[smem:$0x3FD2] =	sst s26  }
0x1e: {  	s4 =	sshll.u32 s27, $0x1;
	_ =	strace $0x80000046;
	[dreg:$0x1] =	wrdreg $0xFFFFFFFF  }
0x1f: {  	s28 =	simm.s32 $_size_execute0_lowered;
	s1 =	sadd.s32 s1, s4;
	[dreg:$0x0] =	wrdreg $0x0  }
0x20: {  	s4 =	sshll.u32 s28, $0x1;
	[dreg:$0x2] =	wrdreg s1  }
0x21: {  	[dreg:$0x3] =	wrdreg s4  }
0x22: {  	[dreg:$0x4] =	wrdreg $0xC0  }
0x23: {  	_ =	task [dreg:s6], $0x5FFFF  }
0x24: {  	[dreg:$0x1] =	wrdreg $0xFFFFFFFF  }
0x25: {  	[dreg:$0x0] =	wrdreg $0x60  }
0x26: {  	[dreg:$0x2] =	wrdreg s25  }
0x27: {  	[dreg:$0x3] =	wrdreg $0x9  }
0x28: {  	_ =	task.clear_ibuf [dreg:s6], $0x4FFFF;
	_ =	strace $0x90000046  }
0x29: {  	s29 =	simm.s32 $0x9;
	_ =	strace $0x80000048  }
0x2a: {  	_ =	swait.ge [sflag:s29], $0x1  }
0x2b: {  	[sflag:s29] =	ssyncadd.s32 $0xFFFFFFFF  }
0x2c: {  	_ =	strace $0x90000048  }
0x2d: {  	_ =	sfence  }
0x2e: {  	s30 =	sld [smem:$0x0];
	_ =	sdelay $0x2  }
0x2f: {  	s31 =	sshll.u32 s3, $0xD;
	s3 =	sshrl.u32 s3, $0x2  }
0x30: {  	s2 =	sand.u32 $0x4000, s31;
	s1 =	sadd.s32 s3, s30  }
0x31: {  	s0 =	sor.u32 s2, s0;
	s1 =	sshll.u32 s1, $0x11  }
0x32: {  	s0 =	sor.u32 s1, s0  }
0x33: {  	s0 =	sadd.s32 $0x8F2B, s0  }
0x34: {  	[sflag:s0] =	ssyncadd.remote.s32 $0x1  }
0x35: {  	_ =	sfence.sel $0xFFFF  }
0x36: {  	[dreg:$0x0] =	wrdreg $0xFFFFFFFF;
	(pc) =	sbr.abs _section_cstart, $3  }
0x37: {  	[dreg:$0x1] =	wrdreg $0xFFFFFFFF  }
0x38: {  	_ =	task.clear_ibuf [dreg:s6], $0x2FFFF;
	_ =	strace $0x9FFFFFFF  }
0x39: {  	(tm) =	ssettm $0x7FFFFFFF  }
tec
execute0_lowered:
.L_overlay_start_1:
0x0: {  	(tag) =	ssettag $0x1  }
0x1: {  	s0 =	srdreg.scid  }
0x2: {  	s5 =	rddreg [dreg:$0x0];
	s1 =	stileid.u32;
	s4 =	simm.s32 $0x1  }
0x3: {  	s6 =	simm.s32 $0x2;
	s8 =	simm.s32 $0x0;
	s2 =	sshll.u32 s0, $0x4  }
0x4: {  	s9 =	simm.s32 $0x0;
	s13 =	simm.s32 $0x0;
	s2 =	sand.u32 $0x10, s2  }
.Ltmp0:
0x5: {  	s10 =	simm.s32 $0x0;
	s3 =	sor.u32 s1, s2;
	(pc) =	sbr.rel .LBB1_1-.Ltmp0, $4  }
0x6: {  	s0 =	rddreg [dreg:$0x1];
	_ =	strace $0x80000047;
	s3 =	sshll.u32 s3, $0x2  }
0x7: {  	s12 =	simm.s32 $0x0;
	[sflag:s4] =	ssyncpa.u1 $0x0;
	s7 =	ssub.s32 $0x31CC, s3  }
0x8: {  	s2 =	sadd.s32 $0x30DA00, s5;
	[sflag:s6] =	ssyncpa.u1 $0x0;
	s6 =	sshrl.u32 s7, $0x7  }
0x9: {  	s5 =	sadd.s32 $0x947600, s5;
	s11 =	smov.u32 s3;
	s7 =	sadd.s32 $0x2, s6  }
.LBB1_9:
0xa: {  	s15 =	sshll.u32 s12, $0xE  }
0xb: {  	s16 =	sshll.u32 s10, $0x9;
	s15 =	sand.u32 $0x4000, s15  }
0xc: {  	s16 =	sadd.s32 s5, s16;
	s15 =	sor.u32 $0x8000, s15  }
0xd: {  	[hbm4b:s16+s8] =	stream.linear.scatter [tilespmem:s15], [sflag:$0x2], s14, $0x38;
	[tilespmem:$0x10000] =	vst v63  }
.LBB1_10:
0xe: {  	p0 =	slt.u32 s12, $0x2  }
0xf: {  	p1 =	sgt.s32 @!p0 s13, $0x31CA  }
0x10: {  	s14 =	smov.u32 s13;
	s15 =	sshra.s32 @!p0 s13, $0x1F;
	p1 =	por !p1, p0  }
0x11: {  	s13 =	sand.u32 @!p0 s15, s13;
	s14 =	simm.s32 @p1 $0x31CA  }
0x12: {  	s13 =	ssub.s32 @!p0 s14, s13  }
0x13: {  	s13 =	sadd.s32 @!p0 $0xFFFFCE36, s13  }
0x14: {  	s14 =	sshll.u32 @!p0 s13, $0xE  }
0x15: {  	p1 =	sgt.s32 @!p0 s13, $0x3;
	s13 =	ssub.s32 @!p0 $0x10000, s14  }
0x16: {  	s15 =	sadd.s32 $0x80, s11;
	p1 =	por !p1, p0;
	s13 =	sshrl.u32 @!p0 s13, $0x2  }
0x17: {  	s13 =	simm.s32 @!p1 $0x0;
	p1 =	sgt.s32 s15, $0x31CD  }
0x18: {  	s15 =	smov.u32 @p1 s3;
	p1 =	sne.s32 s12, s7  }
.Ltmp1:
0x19: {  	_ = 	snop;
	(pc) =	sbr.rel @!p1 .LBB1_11-.Ltmp1, $4  }
0x1a: {  	s14 =	simm.s32 @!p0 $0x2  }
0x1b: {  	s9 =	sadd.s32 $0x4000, s9;
	_ =	swait.ge @!p0 [sflag:s14], s13;
	s16 =	ssub.s32 @!p0 $0x0, s13  }
0x1c: {  	s13 =	smov.u32 s10;
	s12 =	sadd.s32 $0x1, s12;
	[sflag:s14] =	ssyncset.done @!p0 $0x0  }
0x1d: {  	s10 =	smov.u32 s11;
	s11 =	smov.u32 s15;
	[sflag:s14] =	ssyncadd.s32 @!p0 s16  }
.LBB1_1:
0x1e: {  	p0 =	sgt.u32 s12, s6  }
0x1f: {  	p1 =	sgt.s32 @!p0 s11, $0x31CA  }
0x20: {  	s14 =	smov.u32 s11;
	s15 =	sshra.s32 @!p0 s11, $0x1F;
	p1 =	por !p1, p0  }
0x21: {  	s15 =	sand.u32 @!p0 s15, s11;
	s14 =	simm.s32 @p1 $0x31CA  }
0x22: {  	s14 =	ssub.s32 @!p0 s14, s15  }
0x23: {  	s14 =	sadd.s32 @!p0 $0xFFFFCE36, s14  }
0x24: {  	s17 =	simm.s32 @!p0 $0x0;
	s15 =	sxor.u32 @!p0 $0xFFFFFFFF, s12;
	s16 =	sshll.u32 @!p0 s14, $0xE  }
0x25: {  	s15 =	sshll.u32 @!p0 s15, $0xE;
	p1 =	sgt.s32 @!p0 s14, $0x3;
	s14 =	ssub.s32 @!p0 $0x10000, s16  }
0x26: {  	p1 =	por !p1, p0;
	s16 =	sshll.u32 @!p0 s11, $0x9;
	s14 =	sshrl.u32 @!p0 s14, $0x2  }
0x27: {  	s15 =	sand.u32 @!p0 $0x4000, s15;
	s16 =	sadd.s32 @!p0 s2, s16;
	s14 =	simm.s32 @!p1 $0x0  }
0x28: {  	[tilespmem:s15], [sflag:$0x1] =	stream.linear.gather @!p0 [hbm4b:s16+s17], s14, $0x38;
	[tilespmem:$0x10000] =	vst v63  }
0x29: {  	p0 =	seq.s32 s12, $0x0  }
0x2a: {  	p1 =	sge.u32 @!p0 s12, s7  }
0x2b: {  	p0 =	por p0, p1  }
.Ltmp2:
0x2c: {  	_ = 	snop;
	(pc) =	sbr.rel @p0 .LBB1_10-.Ltmp2, $1  }
0x2d: {  	_ =	sdelay $0x3  }
0x2e: {  	p0 =	sgt.s32 s10, $0x31CA;
	s14 =	smov.u32 s10;
	s15 =	sshra.s32 s10, $0x1F  }
0x2f: {  	s14 =	simm.s32 @!p0 $0x31CA;
	s15 =	sand.u32 s15, s10  }
0x30: {  	s14 =	ssub.s32 s14, s15  }
0x31: {  	s16 =	sadd.s32 $0x4, s10;
	s14 =	sadd.s32 $0xFFFFCE36, s14  }
0x32: {  	p1 =	slt.s32 s16, $0x31CE;
	s30 =	sshll.u32 s14, $0xE  }
0x33: {  	s16 =	simm.s32 @!p1 $0x31CE;
	s15 =	ssub.s32 $0x10000, s30  }
0x34: {  	p0 =	sgt.s32 s14, $0x3;
	s14 =	sshrl.u32 s15, $0x2;
	s15 =	ssub.s32 s16, s10  }
0x35: {  	s14 =	simm.s32 @p0 $0x0;
	p0 =	slt.s32 s15, $0x1  }
.Ltmp3:
0x36: {  	_ = 	snop;
	(pc) =	sbr.rel @p0 .LBB1_9-.Ltmp3, $4  }
0x37: {  	_ = 	snop  }
0x38: {  	_ =	swait.ge [sflag:s4], s14  }
0x39: {  	s31 =	ssub.s32 $0x0, s14;
	[sflag:s4] =	ssyncset.done $0x0  }
0x3a: {  	[sflag:s4] =	ssyncadd.s32 s31  }
0x3b: {  	s17 =	sand.u32 $0x4000, s9  }
0x3c: {  	s18 =	simm.s32 $0x0;
	s16 =	sor.u32 $0x40, s17;
	s17 =	sor.u32 $0x8040, s17  }
.LBB1_4:
0x3d: {  	s19 =	smov.u32 s17;
	s20 =	smov.u32 s16;
	s21 =	simm.s32 $0x0  }
.LBB1_5:
0x3e: {  	v0 =	vmov s19;
	v2 =	vld [tilespmem:s20+$0x30]  }
0x3f: {  	v4 =	vld [tilespmem:s20+$0xFFFFFFD0]  }
0x40: {  	v6 =	vld [tilespmem:s20+$0xFFFFFFE0]  }
0x41: {  	v7 =	vld [tilespmem:s20+$0xFFFFFFF0]  }
0x42: {  	s22 =	simm.s32 $0x0;
	v1 =	vld [tilespmem:s20+$0x0]  }
0x43: {  	v3 =	vld [tilespmem:s20+$0x10];
	[tilespmem:v0+s22+$0x30 ss:$0x1] =	vst.idx.msk $0xffff, v2  }
0x44: {  	v5 =	vld [tilespmem:s20+$0x20];
	[tilespmem:v0+s22+$0xFFFFFFD0 ss:$0x1] =	vst.idx.msk $0xffff, v4  }
0x45: {  	s23 =	sadd.s32 $0x80, s20;
	v2 =	vld [tilespmem:s20+$0xFFFFFFC0];
	[tilespmem:v0+s22+$0xFFFFFFE0 ss:$0x1] =	vst.idx.msk $0xffff, v6  }
0x46: {  	s24 =	simm.s32 $0x800;
	s25 =	simm.s32 $0x1000;
	v4 =	vld [tilespmem:s23+$0x30];
	[tilespmem:v0+s22+$0xFFFFFFF0 ss:$0x1] =	vst.idx.msk $0xffff, v7  }
.LBB1_6:
0x47: {  	p0 =	sne.s32 s25, $0x3800;
	v6 =	vld [tilespmem:s23+$0xFFFFFFD0];
	[tilespmem:v0+s22+$0x0 ss:$0x1] =	vst.idx.msk $0xffff, v1  }
0x48: {  	v7 =	vld [tilespmem:s23+$0xFFFFFFE0];
	[tilespmem:v0+s22+$0x10 ss:$0x1] =	vst.idx.msk $0xffff, v3  }
0x49: {  	v8 =	vld [tilespmem:s23+$0xFFFFFFF0];
	[tilespmem:v0+s22+$0x20 ss:$0x1] =	vst.idx.msk $0xffff, v5  }
.Ltmp4:
0x4a: {  	v1 =	vld [tilespmem:s23+$0x0];
	[tilespmem:v0+s22+$0xFFFFFFC0 ss:$0x1] =	vst.idx.msk $0xffff, v2;
	s22 =	sshra.s32 s24, $0x2;
	s24 =	smov.u32 s25;
	(pc) =	sbr.rel @p0 .LBB1_6-.Ltmp4, $4  }
0x4b: {  	v3 =	vld [tilespmem:s23+$0x10];
	[tilespmem:v0+s22+$0x30 ss:$0x1] =	vst.idx.msk $0xffff, v4  }
0x4c: {  	[tilespmem:v0+s22+$0xFFFFFFD0 ss:$0x1] =	vst.idx.msk $0xffff, v6;
	v5 =	vld [tilespmem:s23+$0x20]  }
0x4d: {  	v2 =	vld [tilespmem:s23+$0xFFFFFFC0];
	[tilespmem:v0+s22+$0xFFFFFFE0 ss:$0x1] =	vst.idx.msk $0xffff, v7;
	s23 =	sadd.s32 $0x80, s23  }
0x4e: {  	s25 =	sadd.s32 $0x800, s25;
	v4 =	vld [tilespmem:s23+$0x30];
	[tilespmem:v0+s22+$0xFFFFFFF0 ss:$0x1] =	vst.idx.msk $0xffff, v8  }
0x4f: {  	_ =	sdelay $0x3  }
0x50: {  	v6 =	vld [tilespmem:s23+$0xFFFFFFD0];
	[tilespmem:v0+s22+$0x0 ss:$0x1] =	vst.idx.msk $0xffff, v1  }
0x51: {  	v58 =	vld [tilespmem:s23+$0xFFFFFFE0];
	[tilespmem:v0+s22+$0x10 ss:$0x1] =	vst.idx.msk $0xffff, v3  }
0x52: {  	v59 =	vld [tilespmem:s23+$0xFFFFFFF0];
	[tilespmem:v0+s22+$0x20 ss:$0x1] =	vst.idx.msk $0xffff, v5  }
0x53: {  	s24 =	sshra.s32 s24, $0x2;
	v60 =	vld [tilespmem:s23+$0x0];
	[tilespmem:v0+s22+$0xFFFFFFC0 ss:$0x1] =	vst.idx.msk $0xffff, v2  }
0x54: {  	v61 =	vld [tilespmem:s23+$0x10];
	[tilespmem:v0+s24+$0x30 ss:$0x1] =	vst.idx.msk $0xffff, v4  }
0x55: {  	v62 =	vld [tilespmem:s23+$0x20];
	s21 =	sadd.s32 $0x1, s21;
	[tilespmem:v0+s24+$0xFFFFFFD0 ss:$0x1] =	vst.idx.msk $0xffff, v6  }
0x56: {  	v63 =	vld [tilespmem:s23+$0xFFFFFFC0];
	p0 =	sne.s32 s21, $0x4;
	[tilespmem:v0+s24+$0xFFFFFFE0 ss:$0x1] =	vst.idx.msk $0xffff, v58  }
.Ltmp5:
0x57: {  	[tilespmem:v0+s24+$0xFFFFFFF0 ss:$0x1] =	vst.idx.msk $0xffff, v59;
	(pc) =	sbr.rel @p0 .LBB1_5-.Ltmp5, $4  }
0x58: {  	[tilespmem:v0+s24+$0x0 ss:$0x1] =	vst.idx.msk $0xffff, v60  }
0x59: {  	[tilespmem:v0+s24+$0x10 ss:$0x1] =	vst.idx.msk $0xffff, v61  }
0x5a: {  	[tilespmem:v0+s24+$0x20 ss:$0x1] =	vst.idx.msk $0xffff, v62  }
0x5b: {  	s20 =	sadd.s32 $0x400, s20;
	s19 =	sadd.s32 $0x80, s19;
	[tilespmem:v0+s24+$0xFFFFFFC0 ss:$0x1] =	vst.idx.msk $0xffff, v63  }
0x5c: {  	s18 =	sadd.s32 $0x1, s18  }
0x5d: {  	p0 =	sne.s32 s18, s15  }
.Ltmp6:
0x5e: {  	_ = 	snop;
	(pc) =	sbr.rel @p0 .LBB1_4-.Ltmp6, $4  }
.Ltmp7:
0x5f: {  	_ = 	snop;
	(pc) =	sbr.rel @!p0 .LBB1_9-.Ltmp7, $4  }
0x60: {  	_ = 	snop  }
0x61: {  	_ = 	snop  }
0x62: {  	s16 =	sadd.s32 $0x1000, s16;
	s17 =	sadd.s32 $0x1000, s17  }
0x63: {  	_ = 	snop  }
.LBB1_11:
0x64: {  	_ =	sfence.sel $0x180000  }
0x65: {  	s2 =	simm.s32 $0x1;
	[bflag:$0x0] =	sbarrier.arrive $0xFFFF  }
0x66: {  	s31 =	simm.s32 $0x2;
	[sflag:s2] =	ssyncpa.u1 $0x1  }
0x67: {  	[sflag:s31] =	ssyncpa.u1 $0x1  }
0x68: {  	p0 =	sne.s32 s1, $0x0;
	_ =	strace $0x90000047  }
0x69: {  	s0 =	sadd.s32 @!p0 $0x100000, s0;
	[bflag:$0x2] =	sbarrier.arrive $0xFFFF  }
0x6a: {  	[sflag:s0] =	ssyncadd.tile.s32 @!p0 $0x1;
	_ =	shalt  }
.Lfunc_end1:
_tile_overlayer_lowered:
.L_overlay_start_2:
0x6b: {  	(tag) =	ssettag $0x2  }
0x6c: {  	s0 =	rddreg [dreg:$0x0];
	s2 =	stileid.u32  }
0x6d: {  	s1 =	rddreg [dreg:$0x1];
	p0 =	sne.s32 s2, $0x0  }
0x6e: {  	s3 =	rddreg [dreg:$0x2];
	[bflag:$0x3] =	sbarrier.arrive $0xFFFF;
	s2 =	simm.s32 @!p0 $0x1C01  }
0x6f: {  	[timem:s3], [sflag:s2] =	dma.local @!p0 [hbm:s0], s1  }
0x70: {  	s0 =	simm.s32 @!p0 $0x1  }
0x71: {  	_ =	swait.ge @!p0 [sflag:s0], s1  }
0x72: {  	s1 =	ssub.s32 @!p0 $0x0, s1;
	[sflag:s0] =	ssyncset.done @!p0 $0x0  }
0x73: {  	[sflag:s0] =	ssyncadd.s32 @!p0 s1  }
0x74: {  	[bflag:$0x3] =	sbarrier.arrive $0xFFFF  }
0x75: {  	_ =	shalt  }

</sc_bundles>
